<compile_context>
chip_gen: v7x
topology: tpu7x:2x2x1
jax: 0.10.2.dev20260603
libtpu: 0.0.44.dev20260713+nightly
codegen_flags: <defaults>
</compile_context>

<pallas_src>
import functools

import jax
import jax.numpy as jnp
from jax import lax
from jax.experimental import pallas as pl
from jax.experimental.pallas import tpu as pltpu
from jax.experimental.pallas import tpu_sc as plsc

N = 100000
G = 64
D = 3
MIN_SCALE_CONST = 0.1

_INFO = plsc.get_sparse_core_info()
_NC = _INFO.num_cores
_NS = _INFO.num_subcores
_NW = _NC * _NS

_CH = 3136
_CH_LAST = N - (_NW - 1) * _CH
_IT = _CH // 16
_IT_LAST = _CH_LAST // 16

_XSUB = 8


def _newton_sqrt(s):
    i = plsc.bitcast(s, jnp.int32)
    y = plsc.bitcast(lax.shift_right_logical(i, 1) + 0x1FBD1DF5, jnp.float32)
    for _ in range(2):
        y = 0.5 * (y + s / y)
    return y


def _sc_body(pred_hbm, targ_hbm, batch_hbm, x8_hbm,
             sums_hbm, cnts_hbm, force_hbm,
             pred_v, targ_v, batch_v, idx_v, xr_v, acc_v, cnt_v, force_v,
             sem_in, sem_g):
    wid = lax.axis_index("s") * _NC + lax.axis_index("c")
    r0 = wid * _CH

    z = jnp.zeros((16,), jnp.float32)
    for k in range(G // 16):
        acc_v[pl.ds(16 * k, 16)] = z
        cnt_v[pl.ds(16 * k, 16)] = z

    lane = lax.iota(jnp.int32, 16)
    ones = jnp.ones((16,), jnp.float32)

    def _run(chunk, iters, unroll):
        cps = []
        for c in range(D):
            cps.append(pltpu.async_copy(
                pred_hbm.at[pl.ds(c * N + r0, chunk)],
                pred_v.at[pl.ds(c * _CH, chunk)], sem_in))
            cps.append(pltpu.async_copy(
                targ_hbm.at[pl.ds(c * N + r0, chunk)],
                targ_v.at[pl.ds(c * _CH, chunk)], sem_in))
        cps.append(pltpu.async_copy(batch_hbm.at[pl.ds(r0, chunk)],
                                    batch_v.at[pl.ds(0, chunk)], sem_in))

        def build_idx(i, carry):
            base = i * 16
            idx_v[pl.ds(base, 16)] = \
                jnp.minimum(r0 + base + lane, N - 1) * 16
            return carry

        lax.fori_loop(0, _IT, build_idx, 0, unroll=4)
        g = pltpu.async_copy(x8_hbm.at[idx_v], xr_v, sem_g)
        for cp in cps:
            cp.wait()

        def body(i, carry):
            base = i * 16
            b16 = batch_v[pl.ds(base, 16)]
            plsc.addupdate_scatter(cnt_v, [b16], ones)
            e = jnp.zeros((16,), jnp.float32)
            for c in range(D):
                p = pred_v[pl.ds(c * _CH + base, 16)]
                t = targ_v[pl.ds(c * _CH + base, 16)]
                e = e + jnp.abs(p - t)
            plsc.addupdate_scatter(acc_v, [b16], e)
            return carry

        lax.fori_loop(0, iters, body, 0, unroll=unroll)
        g.wait()

        c3 = jnp.full((16,), 3, jnp.int32)
        c4 = jnp.full((16,), 4, jnp.int32)

        def fbody(i, facc):
            base = i * 16
            rows = base + lane
            a = plsc.load_gather(xr_v, [rows, c3])
            b = plsc.load_gather(xr_v, [rows, c4])
            return facc + _newton_sqrt(a * a + b * b)

        facc = lax.fori_loop(0, iters, fbody, z, unroll=unroll)
        force_v[pl.ds(0, 16)] = facc

    @pl.when(wid < _NW - 1)
    def _():
        _run(_CH, _IT, 7)

    @pl.when(wid == _NW - 1)
    def _():
        _run(_CH_LAST, _IT_LAST, 6)

    pltpu.sync_copy(acc_v, sums_hbm.at[pl.ds(wid * G, G)])
    pltpu.sync_copy(cnt_v, cnts_hbm.at[pl.ds(wid * G, G)])
    pltpu.sync_copy(force_v, force_hbm.at[pl.ds(wid * 16, 16)])


@jax.jit
def _sc_all(predf, targf, batch, x8):
    mesh = plsc.VectorSubcoreMesh(core_axis_name="c", subcore_axis_name="s")
    f = functools.partial(
        pl.kernel,
        mesh=mesh,
        out_type=(
            jax.ShapeDtypeStruct((_NW * G,), jnp.float32),
            jax.ShapeDtypeStruct((_NW * G,), jnp.float32),
            jax.ShapeDtypeStruct((_NW * 16,), jnp.float32),
        ),
        scratch_types=[
            pltpu.VMEM((_CH * D,), jnp.float32),
            pltpu.VMEM((_CH * D,), jnp.float32),
            pltpu.VMEM((_CH,), jnp.int32),
            pltpu.VMEM((_CH,), jnp.int32),
            pltpu.VMEM((_CH, _XSUB), jnp.float32),
            pltpu.VMEM((G,), jnp.float32),
            pltpu.VMEM((G,), jnp.float32),
            pltpu.VMEM((16,), jnp.float32),
            pltpu.SemaphoreType.DMA,
            pltpu.SemaphoreType.DMA,
        ],
        compiler_params=pltpu.CompilerParams(needs_layout_passes=False,
                                             use_tc_tiling_on_sc=False),
    )(_sc_body)
    return f(predf, targf, batch, x8)


def _fin_body(sums_ref, cnts_ref, force_ref, out_ref):
    seg = jnp.zeros((G,), jnp.float32)
    cnt = jnp.zeros((G,), jnp.float32)
    for w in range(_NW):
        seg = seg + sums_ref[pl.ds(w * G, G)]
        cnt = cnt + cnts_ref[pl.ds(w * G, G)]
    mae = seg / (cnt * float(D))
    scale = jnp.maximum(jnp.sum(force_ref[...]), MIN_SCALE_CONST)
    out_ref[...] = jnp.full((1, 1), jnp.mean(mae) * scale * 100.0,
                            dtype=jnp.float32)


@jax.jit
def _finalize(sums, cnts, force):
    return pl.pallas_call(
        _fin_body,
        out_shape=jax.ShapeDtypeStruct((1, 1), jnp.float32),
    )(sums, cnts, force)


def kernel(pred, target, batch, x):
    batch = batch.astype(jnp.int32)
    predf = jnp.transpose(pred).reshape(-1)
    targf = jnp.transpose(target).reshape(-1)
    x8 = x.reshape(N * 16, _XSUB)
    sums, cnts, force = _sc_all(predf, targf, batch, x8)
    out = _finalize(sums, cnts, force)
    return out[0, 0]

# --- scband reference (transcript-rebuilt; emitter-appended) ---
"""Pipeline reference for scband-scaled-graph-maeloss-40346922778987 (READ-ONLY COPY).

The authoritative reference and input builder live on the scoring server;
editing this copy changes nothing except your own understanding.
"""

import jax, jax.numpy as jnp
import numpy as np

NUM_GRAPHS = 64
MIN_SCALE = 0.1


def setup_inputs(seed: int = 0) -> dict:
    key = jax.random.key(seed)
    k1, k2, k3, k4 = jax.random.split(key, 4)
    N = 100000
    pred = jax.random.normal(k1, (N, 3), dtype=jnp.float32)
    target = jax.random.normal(k2, (N, 3), dtype=jnp.float32)
    batch = jnp.sort(jax.random.randint(k3, (N,), 0, NUM_GRAPHS, dtype=jnp.int64))
    x = jax.random.normal(k4, (N, 128), dtype=jnp.float32)
    return {"pred": pred, "target": target, "batch": batch, "x": x}


def _compute_total_force(x):
    force_features = x[:, 3:5]
    force_magnitudes = jnp.linalg.norm(force_features, axis=1)
    return jnp.sum(force_magnitudes)


def reference(pred, target, batch, x):
    # Per-graph MAE via segment reductions (vectorized form of the python loop).
    # mean over ALL elements of each graph's (pred - target) block: sum(|err|) / (n_i * d)
    abs_err = jnp.abs(pred - target)
    per_node = jnp.sum(abs_err, axis=1)
    seg_sum = jax.ops.segment_sum(per_node, batch, num_segments=NUM_GRAPHS)
    counts = jax.ops.segment_sum(jnp.ones_like(per_node), batch, num_segments=NUM_GRAPHS)
    d = pred.shape[1]
    graph_mae = seg_sum / (counts * d)
    # Original code computes total force over ALL of x for every graph (not masked),
    # and uses .item() -> no gradient flows through the scale factor.
    total_force = jax.lax.stop_gradient(_compute_total_force(x))
    scale_factor = jnp.maximum(total_force, MIN_SCALE)
    graph_losses = graph_mae * scale_factor
    return jnp.mean(graph_losses) * 100.0

if __name__ == "__main__":
    import jax
    _d = setup_inputs()
    print(jax.jit(kernel)(*tuple(_d.values())))

</pallas_src>

<mosaic_0001>
#map = affine_map<(d0, d1) -> (0)>
#map1 = affine_map<(d0, d1) -> (0, 0)>
module attributes {stable_mosaic.version = 14 : i64} {
  func.func @_sc_body(%arg0: i32, %arg1: i32, %arg2: memref<300000xf32, #tpu.memory_space<hbm>>, %arg3: memref<300000xf32, #tpu.memory_space<hbm>>, %arg4: memref<100000xi32, #tpu.memory_space<hbm>>, %arg5: memref<1600000x8xf32, #tpu.memory_space<hbm>>, %arg6: memref<2048xf32, #tpu.memory_space<hbm>>, %arg7: memref<2048xf32, #tpu.memory_space<hbm>>, %arg8: memref<512xf32, #tpu.memory_space<hbm>>, %arg9: memref<9408xf32, #tpu.memory_space<vmem>>, %arg10: memref<9408xf32, #tpu.memory_space<vmem>>, %arg11: memref<3136xi32, #tpu.memory_space<vmem>>, %arg12: memref<3136xi32, #tpu.memory_space<vmem>>, %arg13: memref<3136x8xf32, #tpu.memory_space<vmem>>, %arg14: memref<64xf32, #tpu.memory_space<vmem>>, %arg15: memref<64xf32, #tpu.memory_space<vmem>>, %arg16: memref<16xf32, #tpu.memory_space<vmem>>, %arg17: memref<!tpu.dma_semaphore, #tpu.memory_space<semaphore_mem>>, %arg18: memref<!tpu.dma_semaphore, #tpu.memory_space<semaphore_mem>>) attributes {dimension_semantics = [#tpu.dimension_semantics<core_parallel>, #tpu.dimension_semantics<subcore_parallel>], iteration_bounds = array<i64: 2, 16>, scalar_prefetch = 0 : i64, scratch_operands = 10 : i64, tpu.core_type = #tpu.core_type<sc_vector_subcore>, window_params = [{transform_indices = #map}, {transform_indices = #map}, {transform_indices = #map}, {transform_indices = #map1}, {transform_indices = #map}, {transform_indices = #map}, {transform_indices = #map}]} {
    %mul3A = arith.constant 2 : i32
    %mul3A_0 = arith.muli %arg1, %mul3A : i32
    %add3A = arith.addi %mul3A_0, %arg0 : i32
    %mul3A_1 = arith.constant 3136 : i32
    %mul3A_2 = arith.muli %add3A, %mul3A_1 : i32
    %broadcast_in_dim3A = arith.constant 0.000000e+00 : f32
    %broadcast_in_dim3A_3 = vector.broadcast %broadcast_in_dim3A : f32 to vector<16xf32>
    %swap3A = arith.constant 0 : index
    %swap3A_4 = tpu.vector_load %arg14[%swap3A] {strides = array<i32>} : memref<64xf32, #tpu.memory_space<vmem>>, vector<16xf32>,
    tpu.vector_store %arg14[%swap3A], %broadcast_in_dim3A_3 {strides = array<i32>} : memref<64xf32, #tpu.memory_space<vmem>>, vector<16xf32>,
    %swap3A_5 = arith.constant 0 : index
    %swap3A_6 = tpu.vector_load %arg15[%swap3A_5] {strides = array<i32>} : memref<64xf32, #tpu.memory_space<vmem>>, vector<16xf32>,
    tpu.vector_store %arg15[%swap3A_5], %broadcast_in_dim3A_3 {strides = array<i32>} : memref<64xf32, #tpu.memory_space<vmem>>, vector<16xf32>,
    %swap3A_7 = arith.constant 16 : index
    %swap3A_8 = tpu.vector_load %arg14[%swap3A_7] {strides = array<i32>} : memref<64xf32, #tpu.memory_space<vmem>>, vector<16xf32>,
    tpu.vector_store %arg14[%swap3A_7], %broadcast_in_dim3A_3 {strides = array<i32>} : memref<64xf32, #tpu.memory_space<vmem>>, vector<16xf32>,
    %swap3A_9 = arith.constant 16 : index
    %swap3A_10 = tpu.vector_load %arg15[%swap3A_9] {strides = array<i32>} : memref<64xf32, #tpu.memory_space<vmem>>, vector<16xf32>,
    tpu.vector_store %arg15[%swap3A_9], %broadcast_in_dim3A_3 {strides = array<i32>} : memref<64xf32, #tpu.memory_space<vmem>>, vector<16xf32>,
    %swap3A_11 = arith.constant 32 : index
    %swap3A_12 = tpu.vector_load %arg14[%swap3A_11] {strides = array<i32>} : memref<64xf32, #tpu.memory_space<vmem>>, vector<16xf32>,
    tpu.vector_store %arg14[%swap3A_11], %broadcast_in_dim3A_3 {strides = array<i32>} : memref<64xf32, #tpu.memory_space<vmem>>, vector<16xf32>,
    %swap3A_13 = arith.constant 32 : index
    %swap3A_14 = tpu.vector_load %arg15[%swap3A_13] {strides = array<i32>} : memref<64xf32, #tpu.memory_space<vmem>>, vector<16xf32>,
    tpu.vector_store %arg15[%swap3A_13], %broadcast_in_dim3A_3 {strides = array<i32>} : memref<64xf32, #tpu.memory_space<vmem>>, vector<16xf32>,
    %swap3A_15 = arith.constant 48 : index
    %swap3A_16 = tpu.vector_load %arg14[%swap3A_15] {strides = array<i32>} : memref<64xf32, #tpu.memory_space<vmem>>, vector<16xf32>,
    tpu.vector_store %arg14[%swap3A_15], %broadcast_in_dim3A_3 {strides = array<i32>} : memref<64xf32, #tpu.memory_space<vmem>>, vector<16xf32>,
    %swap3A_17 = arith.constant 48 : index
    %swap3A_18 = tpu.vector_load %arg15[%swap3A_17] {strides = array<i32>} : memref<64xf32, #tpu.memory_space<vmem>>, vector<16xf32>,
    tpu.vector_store %arg15[%swap3A_17], %broadcast_in_dim3A_3 {strides = array<i32>} : memref<64xf32, #tpu.memory_space<vmem>>, vector<16xf32>,
    %iota3A = tpu.iota {dimensions = array<i32: 0>} : vector<16xi32>
    %broadcast_in_dim3A_19 = arith.constant 1.000000e+00 : f32
    %broadcast_in_dim3A_20 = vector.broadcast %broadcast_in_dim3A_19 : f32 to vector<16xf32>
    %lt3A = arith.constant 31 : i32
    %lt3A_21 = arith.cmpi slt, %add3A, %lt3A : i32
    %convert_element_type3A = arith.extui %lt3A_21 : i1 to i32
    %cond3A = arith.constant 0 : i32
    %cond3A_22 = arith.cmpi ne, %convert_element_type3A, %cond3A : i32
    scf.if %cond3A_22 {
      %add3A_33 = arith.constant 0 : i32
      %add3A_34 = arith.addi %add3A_33, %mul3A_2 : i32
      %dma_start3A = arith.constant 0 : i32
      %dma_start3A_35 = tpu.memref_slice %arg9[%dma_start3A] : memref<9408xf32, #tpu.memory_space<vmem>> -> memref<3136xf32, #tpu.memory_space<vmem>>
      %dma_start3A_36 = tpu.memref_slice %arg2[%add3A_34] : memref<300000xf32, #tpu.memory_space<hbm>> -> memref<3136xf32, #tpu.memory_space<hbm>>
      %dma_start3A_37 = arith.constant 0 : i32
      %dma_start3A_38 = tpu.memref_slice %arg9[%dma_start3A_37] : memref<9408xf32, #tpu.memory_space<vmem>> -> memref<3136xf32, #tpu.memory_space<vmem>>
      %dma_start3A_39 = tpu.memref_slice %arg2[%add3A_34] : memref<300000xf32, #tpu.memory_space<hbm>> -> memref<3136xf32, #tpu.memory_space<hbm>>
      tpu.enqueue_dma source(%dma_start3A_39 : memref<3136xf32, #tpu.memory_space<hbm>>) target(%dma_start3A_38 : memref<3136xf32, #tpu.memory_space<vmem>>) target_semaphore(%arg17 : memref<!tpu.dma_semaphore, #tpu.memory_space<semaphore_mem>>)
      %add3A_40 = arith.constant 0 : i32
      %add3A_41 = arith.addi %add3A_40, %mul3A_2 : i32
      %dma_start3A_42 = arith.constant 0 : i32
      %dma_start3A_43 = tpu.memref_slice %arg10[%dma_start3A_42] : memref<9408xf32, #tpu.memory_space<vmem>> -> memref<3136xf32, #tpu.memory_space<vmem>>
      %dma_start3A_44 = tpu.memref_slice %arg3[%add3A_41] : memref<300000xf32, #tpu.memory_space<hbm>> -> memref<3136xf32, #tpu.memory_space<hbm>>
      %dma_start3A_45 = arith.constant 0 : i32
      %dma_start3A_46 = tpu.memref_slice %arg10[%dma_start3A_45] : memref<9408xf32, #tpu.memory_space<vmem>> -> memref<3136xf32, #tpu.memory_space<vmem>>
      %dma_start3A_47 = tpu.memref_slice %arg3[%add3A_41] : memref<300000xf32, #tpu.memory_space<hbm>> -> memref<3136xf32, #tpu.memory_space<hbm>>
      tpu.enqueue_dma source(%dma_start3A_47 : memref<3136xf32, #tpu.memory_space<hbm>>) target(%dma_start3A_46 : memref<3136xf32, #tpu.memory_space<vmem>>) target_semaphore(%arg17 : memref<!tpu.dma_semaphore, #tpu.memory_space<semaphore_mem>>)
      %add3A_48 = arith.constant 100000 : i32
      %add3A_49 = arith.addi %add3A_48, %mul3A_2 : i32
      %dma_start3A_50 = arith.constant 3136 : i32
      %dma_start3A_51 = tpu.memref_slice %arg9[%dma_start3A_50] : memref<9408xf32, #tpu.memory_space<vmem>> -> memref<3136xf32, #tpu.memory_space<vmem>>
      %dma_start3A_52 = tpu.memref_slice %arg2[%add3A_49] : memref<300000xf32, #tpu.memory_space<hbm>> -> memref<3136xf32, #tpu.memory_space<hbm>>
      %dma_start3A_53 = arith.constant 3136 : i32
      %dma_start3A_54 = tpu.memref_slice %arg9[%dma_start3A_53] : memref<9408xf32, #tpu.memory_space<vmem>> -> memref<3136xf32, #tpu.memory_space<vmem>>
      %dma_start3A_55 = tpu.memref_slice %arg2[%add3A_49] : memref<300000xf32, #tpu.memory_space<hbm>> -> memref<3136xf32, #tpu.memory_space<hbm>>
      tpu.enqueue_dma source(%dma_start3A_55 : memref<3136xf32, #tpu.memory_space<hbm>>) target(%dma_start3A_54 : memref<3136xf32, #tpu.memory_space<vmem>>) target_semaphore(%arg17 : memref<!tpu.dma_semaphore, #tpu.memory_space<semaphore_mem>>)
      %add3A_56 = arith.constant 100000 : i32
      %add3A_57 = arith.addi %add3A_56, %mul3A_2 : i32
      %dma_start3A_58 = arith.constant 3136 : i32
      %dma_start3A_59 = tpu.memref_slice %arg10[%dma_start3A_58] : memref<9408xf32, #tpu.memory_space<vmem>> -> memref<3136xf32, #tpu.memory_space<vmem>>
      %dma_start3A_60 = tpu.memref_slice %arg3[%add3A_57] : memref<300000xf32, #tpu.memory_space<hbm>> -> memref<3136xf32, #tpu.memory_space<hbm>>
      %dma_start3A_61 = arith.constant 3136 : i32
      %dma_start3A_62 = tpu.memref_slice %arg10[%dma_start3A_61] : memref<9408xf32, #tpu.memory_space<vmem>> -> memref<3136xf32, #tpu.memory_space<vmem>>
      %dma_start3A_63 = tpu.memref_slice %arg3[%add3A_57] : memref<300000xf32, #tpu.memory_space<hbm>> -> memref<3136xf32, #tpu.memory_space<hbm>>
      tpu.enqueue_dma source(%dma_start3A_63 : memref<3136xf32, #tpu.memory_space<hbm>>) target(%dma_start3A_62 : memref<3136xf32, #tpu.memory_space<vmem>>) target_semaphore(%arg17 : memref<!tpu.dma_semaphore, #tpu.memory_space<semaphore_mem>>)
      %add3A_64 = arith.constant 200000 : i32
      %add3A_65 = arith.addi %add3A_64, %mul3A_2 : i32
      %dma_start3A_66 = arith.constant 6272 : i32
      %dma_start3A_67 = tpu.memref_slice %arg9[%dma_start3A_66] : memref<9408xf32, #tpu.memory_space<vmem>> -> memref<3136xf32, #tpu.memory_space<vmem>>
      %dma_start3A_68 = tpu.memref_slice %arg2[%add3A_65] : memref<300000xf32, #tpu.memory_space<hbm>> -> memref<3136xf32, #tpu.memory_space<hbm>>
      %dma_start3A_69 = arith.constant 6272 : i32
      %dma_start3A_70 = tpu.memref_slice %arg9[%dma_start3A_69] : memref<9408xf32, #tpu.memory_space<vmem>> -> memref<3136xf32, #tpu.memory_space<vmem>>
      %dma_start3A_71 = tpu.memref_slice %arg2[%add3A_65] : memref<300000xf32, #tpu.memory_space<hbm>> -> memref<3136xf32, #tpu.memory_space<hbm>>
      tpu.enqueue_dma source(%dma_start3A_71 : memref<3136xf32, #tpu.memory_space<hbm>>) target(%dma_start3A_70 : memref<3136xf32, #tpu.memory_space<vmem>>) target_semaphore(%arg17 : memref<!tpu.dma_semaphore, #tpu.memory_space<semaphore_mem>>)
      %add3A_72 = arith.constant 200000 : i32
      %add3A_73 = arith.addi %add3A_72, %mul3A_2 : i32
      %dma_start3A_74 = arith.constant 6272 : i32
      %dma_start3A_75 = tpu.memref_slice %arg10[%dma_start3A_74] : memref<9408xf32, #tpu.memory_space<vmem>> -> memref<3136xf32, #tpu.memory_space<vmem>>
      %dma_start3A_76 = tpu.memref_slice %arg3[%add3A_73] : memref<300000xf32, #tpu.memory_space<hbm>> -> memref<3136xf32, #tpu.memory_space<hbm>>
      %dma_start3A_77 = arith.constant 6272 : i32
      %dma_start3A_78 = tpu.memref_slice %arg10[%dma_start3A_77] : memref<9408xf32, #tpu.memory_space<vmem>> -> memref<3136xf32, #tpu.memory_space<vmem>>
      %dma_start3A_79 = tpu.memref_slice %arg3[%add3A_73] : memref<300000xf32, #tpu.memory_space<hbm>> -> memref<3136xf32, #tpu.memory_space<hbm>>
      tpu.enqueue_dma source(%dma_start3A_79 : memref<3136xf32, #tpu.memory_space<hbm>>) target(%dma_start3A_78 : memref<3136xf32, #tpu.memory_space<vmem>>) target_semaphore(%arg17 : memref<!tpu.dma_semaphore, #tpu.memory_space<semaphore_mem>>)
      %dma_start3A_80 = arith.constant 0 : i32
      %dma_start3A_81 = tpu.memref_slice %arg11[%dma_start3A_80] : memref<3136xi32, #tpu.memory_space<vmem>> -> memref<3136xi32, #tpu.memory_space<vmem>>
      %dma_start3A_82 = tpu.memref_slice %arg4[%mul3A_2] : memref<100000xi32, #tpu.memory_space<hbm>> -> memref<3136xi32, #tpu.memory_space<hbm>>
      %dma_start3A_83 = arith.constant 0 : i32
      %dma_start3A_84 = tpu.memref_slice %arg11[%dma_start3A_83] : memref<3136xi32, #tpu.memory_space<vmem>> -> memref<3136xi32, #tpu.memory_space<vmem>>
      %dma_start3A_85 = tpu.memref_slice %arg4[%mul3A_2] : memref<100000xi32, #tpu.memory_space<hbm>> -> memref<3136xi32, #tpu.memory_space<hbm>>
      tpu.enqueue_dma source(%dma_start3A_85 : memref<3136xi32, #tpu.memory_space<hbm>>) target(%dma_start3A_84 : memref<3136xi32, #tpu.memory_space<vmem>>) target_semaphore(%arg17 : memref<!tpu.dma_semaphore, #tpu.memory_space<semaphore_mem>>)
      %scan3A = arith.constant 0 : i32
      %scan3A_86 = arith.constant 0 : i32
      %scan3A_87 = arith.constant 196 : i32
      %scan3A_88 = arith.addi %scan3A_86, %scan3A_87 : i32
      %scan3A_89 = arith.constant 4 : i32
      scf.for %scan3A_156 = %scan3A_86 to %scan3A_88 step %scan3A_89  : i32 {
        %mul3A_157 = arith.constant 16 : i32
        %mul3A_158 = arith.muli %scan3A_156, %mul3A_157 : i32
        %add3A_159 = arith.addi %mul3A_2, %mul3A_158 : i32
        %add3A_160 = vector.broadcast %add3A_159 : i32 to vector<16xi32>
        %add3A_161 = arith.addi %add3A_160, %iota3A : vector<16xi32>
        %min3A = arith.constant 99999 : i32
        %min3A_162 = vector.broadcast %min3A : i32 to vector<16xi32>
        %min3A_163 = arith.minsi %add3A_161, %min3A_162 : vector<16xi32>
        %mul3A_164 = arith.constant 16 : i32
        %mul3A_165 = vector.broadcast %mul3A_164 : i32 to vector<16xi32>
        %mul3A_166 = arith.muli %min3A_163, %mul3A_165 : vector<16xi32>
        %swap3A_167 = arith.index_cast %mul3A_158 : i32 to index
        %swap3A_168 = tpu.vector_load %arg12[%swap3A_167] {strides = array<i32>} : memref<3136xi32, #tpu.memory_space<vmem>>, vector<16xi32>,
        tpu.vector_store %arg12[%swap3A_167], %mul3A_166 {strides = array<i32>} : memref<3136xi32, #tpu.memory_space<vmem>>, vector<16xi32>,
        %scan3A_169 = arith.constant 1 : i32
        %scan3A_170 = arith.addi %scan3A_156, %scan3A_169 : i32
        %mul3A_171 = arith.constant 16 : i32
        %mul3A_172 = arith.muli %scan3A_170, %mul3A_171 : i32
        %add3A_173 = arith.addi %mul3A_2, %mul3A_172 : i32
        %add3A_174 = vector.broadcast %add3A_173 : i32 to vector<16xi32>
        %add3A_175 = arith.addi %add3A_174, %iota3A : vector<16xi32>
        %min3A_176 = arith.constant 99999 : i32
        %min3A_177 = vector.broadcast %min3A_176 : i32 to vector<16xi32>
        %min3A_178 = arith.minsi %add3A_175, %min3A_177 : vector<16xi32>
        %mul3A_179 = arith.constant 16 : i32
        %mul3A_180 = vector.broadcast %mul3A_179 : i32 to vector<16xi32>
        %mul3A_181 = arith.muli %min3A_178, %mul3A_180 : vector<16xi32>
        %swap3A_182 = arith.index_cast %mul3A_172 : i32 to index
        %swap3A_183 = tpu.vector_load %arg12[%swap3A_182] {strides = array<i32>} : memref<3136xi32, #tpu.memory_space<vmem>>, vector<16xi32>,
        tpu.vector_store %arg12[%swap3A_182], %mul3A_181 {strides = array<i32>} : memref<3136xi32, #tpu.memory_space<vmem>>, vector<16xi32>,
        %scan3A_184 = arith.constant 2 : i32
        %scan3A_185 = arith.addi %scan3A_156, %scan3A_184 : i32
        %mul3A_186 = arith.constant 16 : i32
        %mul3A_187 = arith.muli %scan3A_185, %mul3A_186 : i32
        %add3A_188 = arith.addi %mul3A_2, %mul3A_187 : i32
        %add3A_189 = vector.broadcast %add3A_188 : i32 to vector<16xi32>
        %add3A_190 = arith.addi %add3A_189, %iota3A : vector<16xi32>
        %min3A_191 = arith.constant 99999 : i32
        %min3A_192 = vector.broadcast %min3A_191 : i32 to vector<16xi32>
        %min3A_193 = arith.minsi %add3A_190, %min3A_192 : vector<16xi32>
        %mul3A_194 = arith.constant 16 : i32
        %mul3A_195 = vector.broadcast %mul3A_194 : i32 to vector<16xi32>
        %mul3A_196 = arith.muli %min3A_193, %mul3A_195 : vector<16xi32>
        %swap3A_197 = arith.index_cast %mul3A_187 : i32 to index
        %swap3A_198 = tpu.vector_load %arg12[%swap3A_197] {strides = array<i32>} : memref<3136xi32, #tpu.memory_space<vmem>>, vector<16xi32>,
        tpu.vector_store %arg12[%swap3A_197], %mul3A_196 {strides = array<i32>} : memref<3136xi32, #tpu.memory_space<vmem>>, vector<16xi32>,
        %scan3A_199 = arith.constant 3 : i32
        %scan3A_200 = arith.addi %scan3A_156, %scan3A_199 : i32
        %mul3A_201 = arith.constant 16 : i32
        %mul3A_202 = arith.muli %scan3A_200, %mul3A_201 : i32
        %add3A_203 = arith.addi %mul3A_2, %mul3A_202 : i32
        %add3A_204 = vector.broadcast %add3A_203 : i32 to vector<16xi32>
        %add3A_205 = arith.addi %add3A_204, %iota3A : vector<16xi32>
        %min3A_206 = arith.constant 99999 : i32
        %min3A_207 = vector.broadcast %min3A_206 : i32 to vector<16xi32>
        %min3A_208 = arith.minsi %add3A_205, %min3A_207 : vector<16xi32>
        %mul3A_209 = arith.constant 16 : i32
        %mul3A_210 = vector.broadcast %mul3A_209 : i32 to vector<16xi32>
        %mul3A_211 = arith.muli %min3A_208, %mul3A_210 : vector<16xi32>
        %swap3A_212 = arith.index_cast %mul3A_202 : i32 to index
        %swap3A_213 = tpu.vector_load %arg12[%swap3A_212] {strides = array<i32>} : memref<3136xi32, #tpu.memory_space<vmem>>, vector<16xi32>,
        tpu.vector_store %arg12[%swap3A_212], %mul3A_211 {strides = array<i32>} : memref<3136xi32, #tpu.memory_space<vmem>>, vector<16xi32>,
      }
      %scan3A_90 = arith.constant 196 : i32
      %dma_start3A_91 = arith.constant 0 : i32
      %dma_start3A_92 = arith.constant 0 : i32
      %dma_start3A_93 = tpu.memref_slice %arg5[%dma_start3A_91, %dma_start3A_92] : memref<1600000x8xf32, #tpu.memory_space<hbm>> -> memref<1600000x8xf32, #tpu.memory_space<hbm>>
      tpu.enqueue_indirect_dma source(%dma_start3A_93 : memref<1600000x8xf32, #tpu.memory_space<hbm>>) target(%arg13 : memref<3136x8xf32, #tpu.memory_space<vmem>>) offsets(%arg12 : memref<3136xi32, #tpu.memory_space<vmem>>) semaphore(%arg18 : memref<!tpu.dma_semaphore, #tpu.memory_space<semaphore_mem>>)
      %dma_wait3A = arith.constant 0 : i32
      %dma_wait3A_94 = tpu.memref_slice %arg9[%dma_wait3A] : memref<9408xf32, #tpu.memory_space<vmem>> -> memref<3136xf32, #tpu.memory_space<vmem>>
      %dma_wait3A_95 = tpu.memref_slice %arg2[%add3A_34] : memref<300000xf32, #tpu.memory_space<hbm>> -> memref<3136xf32, #tpu.memory_space<hbm>>
      %dma_wait3A_96 = arith.constant 0 : i32
      %dma_wait3A_97 = tpu.memref_slice %arg9[%dma_wait3A_96] : memref<9408xf32, #tpu.memory_space<vmem>> -> memref<3136xf32, #tpu.memory_space<vmem>>
      %dma_wait3A_98 = tpu.memref_slice %arg2[%add3A_34] : memref<300000xf32, #tpu.memory_space<hbm>> -> memref<3136xf32, #tpu.memory_space<hbm>>
      tpu.wait_dma2 semaphore(%arg17 : memref<!tpu.dma_semaphore, #tpu.memory_space<semaphore_mem>>) src(%dma_wait3A_98 : memref<3136xf32, #tpu.memory_space<hbm>>) dst(%dma_wait3A_97 : memref<3136xf32, #tpu.memory_space<vmem>>)
      %dma_wait3A_99 = arith.constant 0 : i32
      %dma_wait3A_100 = tpu.memref_slice %arg10[%dma_wait3A_99] : memref<9408xf32, #tpu.memory_space<vmem>> -> memref<3136xf32, #tpu.memory_space<vmem>>
      %dma_wait3A_101 = tpu.memref_slice %arg3[%add3A_41] : memref<300000xf32, #tpu.memory_space<hbm>> -> memref<3136xf32, #tpu.memory_space<hbm>>
      %dma_wait3A_102 = arith.constant 0 : i32
      %dma_wait3A_103 = tpu.memref_slice %arg10[%dma_wait3A_102] : memref<9408xf32, #tpu.memory_space<vmem>> -> memref<3136xf32, #tpu.memory_space<vmem>>
      %dma_wait3A_104 = tpu.memref_slice %arg3[%add3A_41] : memref<300000xf32, #tpu.memory_space<hbm>> -> memref<3136xf32, #tpu.memory_space<hbm>>
      tpu.wait_dma2 semaphore(%arg17 : memref<!tpu.dma_semaphore, #tpu.memory_space<semaphore_mem>>) src(%dma_wait3A_104 : memref<3136xf32, #tpu.memory_space<hbm>>) dst(%dma_wait3A_103 : memref<3136xf32, #tpu.memory_space<vmem>>)
      %dma_wait3A_105 = arith.constant 3136 : i32
      %dma_wait3A_106 = tpu.memref_slice %arg9[%dma_wait3A_105] : memref<9408xf32, #tpu.memory_space<vmem>> -> memref<3136xf32, #tpu.memory_space<vmem>>
      %dma_wait3A_107 = tpu.memref_slice %arg2[%add3A_49] : memref<300000xf32, #tpu.memory_space<hbm>> -> memref<3136xf32, #tpu.memory_space<hbm>>
      %dma_wait3A_108 = arith.constant 3136 : i32
      %dma_wait3A_109 = tpu.memref_slice %arg9[%dma_wait3A_108] : memref<9408xf32, #tpu.memory_space<vmem>> -> memref<3136xf32, #tpu.memory_space<vmem>>
      %dma_wait3A_110 = tpu.memref_slice %arg2[%add3A_49] : memref<300000xf32, #tpu.memory_space<hbm>> -> memref<3136xf32, #tpu.memory_space<hbm>>
      tpu.wait_dma2 semaphore(%arg17 : memref<!tpu.dma_semaphore, #tpu.memory_space<semaphore_mem>>) src(%dma_wait3A_110 : memref<3136xf32, #tpu.memory_space<hbm>>) dst(%dma_wait3A_109 : memref<3136xf32, #tpu.memory_space<vmem>>)
      %dma_wait3A_111 = arith.constant 3136 : i32
      %dma_wait3A_112 = tpu.memref_slice %arg10[%dma_wait3A_111] : memref<9408xf32, #tpu.memory_space<vmem>> -> memref<3136xf32, #tpu.memory_space<vmem>>
      %dma_wait3A_113 = tpu.memref_slice %arg3[%add3A_57] : memref<300000xf32, #tpu.memory_space<hbm>> -> memref<3136xf32, #tpu.memory_space<hbm>>
      %dma_wait3A_114 = arith.constant 3136 : i32
      %dma_wait3A_115 = tpu.memref_slice %arg10[%dma_wait3A_114] : memref<9408xf32, #tpu.memory_space<vmem>> -> memref<3136xf32, #tpu.memory_space<vmem>>
      %dma_wait3A_116 = tpu.memref_slice %arg3[%add3A_57] : memref<300000xf32, #tpu.memory_space<hbm>> -> memref<3136xf32, #tpu.memory_space<hbm>>
      tpu.wait_dma2 semaphore(%arg17 : memref<!tpu.dma_semaphore, #tpu.memory_space<semaphore_mem>>) src(%dma_wait3A_116 : memref<3136xf32, #tpu.memory_space<hbm>>) dst(%dma_wait3A_115 : memref<3136xf32, #tpu.memory_space<vmem>>)
      %dma_wait3A_117 = arith.constant 6272 : i32
      %dma_wait3A_118 = tpu.memref_slice %arg9[%dma_wait3A_117] : memref<9408xf32, #tpu.memory_space<vmem>> -> memref<3136xf32, #tpu.memory_space<vmem>>
      %dma_wait3A_119 = tpu.memref_slice %arg2[%add3A_65] : memref<300000xf32, #tpu.memory_space<hbm>> -> memref<3136xf32, #tpu.memory_space<hbm>>
      %dma_wait3A_120 = arith.constant 6272 : i32
      %dma_wait3A_121 = tpu.memref_slice %arg9[%dma_wait3A_120] : memref<9408xf32, #tpu.memory_space<vmem>> -> memref<3136xf32, #tpu.memory_space<vmem>>
      %dma_wait3A_122 = tpu.memref_slice %arg2[%add3A_65] : memref<300000xf32, #tpu.memory_space<hbm>> -> memref<3136xf32, #tpu.memory_space<hbm>>
      tpu.wait_dma2 semaphore(%arg17 : memref<!tpu.dma_semaphore, #tpu.memory_space<semaphore_mem>>) src(%dma_wait3A_122 : memref<3136xf32, #tpu.memory_space<hbm>>) dst(%dma_wait3A_121 : memref<3136xf32, #tpu.memory_space<vmem>>)
      %dma_wait3A_123 = arith.constant 6272 : i32
      %dma_wait3A_124 = tpu.memref_slice %arg10[%dma_wait3A_123] : memref<9408xf32, #tpu.memory_space<vmem>> -> memref<3136xf32, #tpu.memory_space<vmem>>
      %dma_wait3A_125 = tpu.memref_slice %arg3[%add3A_73] : memref<300000xf32, #tpu.memory_space<hbm>> -> memref<3136xf32, #tpu.memory_space<hbm>>
      %dma_wait3A_126 = arith.constant 6272 : i32
      %dma_wait3A_127 = tpu.memref_slice %arg10[%dma_wait3A_126] : memref<9408xf32, #tpu.memory_space<vmem>> -> memref<3136xf32, #tpu.memory_space<vmem>>
      %dma_wait3A_128 = tpu.memref_slice %arg3[%add3A_73] : memref<300000xf32, #tpu.memory_space<hbm>> -> memref<3136xf32, #tpu.memory_space<hbm>>
      tpu.wait_dma2 semaphore(%arg17 : memref<!tpu.dma_semaphore, #tpu.memory_space<semaphore_mem>>) src(%dma_wait3A_128 : memref<3136xf32, #tpu.memory_space<hbm>>) dst(%dma_wait3A_127 : memref<3136xf32, #tpu.memory_space<vmem>>)
      %dma_wait3A_129 = arith.constant 0 : i32
      %dma_wait3A_130 = tpu.memref_slice %arg11[%dma_wait3A_129] : memref<3136xi32, #tpu.memory_space<vmem>> -> memref<3136xi32, #tpu.memory_space<vmem>>
      %dma_wait3A_131 = tpu.memref_slice %arg4[%mul3A_2] : memref<100000xi32, #tpu.memory_space<hbm>> -> memref<3136xi32, #tpu.memory_space<hbm>>
      %dma_wait3A_132 = arith.constant 0 : i32
      %dma_wait3A_133 = tpu.memref_slice %arg11[%dma_wait3A_132] : memref<3136xi32, #tpu.memory_space<vmem>> -> memref<3136xi32, #tpu.memory_space<vmem>>
      %dma_wait3A_134 = tpu.memref_slice %arg4[%mul3A_2] : memref<100000xi32, #tpu.memory_space<hbm>> -> memref<3136xi32, #tpu.memory_space<hbm>>
      tpu.wait_dma2 semaphore(%arg17 : memref<!tpu.dma_semaphore, #tpu.memory_space<semaphore_mem>>) src(%dma_wait3A_134 : memref<3136xi32, #tpu.memory_space<hbm>>) dst(%dma_wait3A_133 : memref<3136xi32, #tpu.memory_space<vmem>>)
      %scan3A_135 = arith.constant 0 : i32
      %scan3A_136 = arith.constant 0 : i32
      %scan3A_137 = arith.constant 196 : i32
      %scan3A_138 = arith.addi %scan3A_136, %scan3A_137 : i32
      %scan3A_139 = arith.constant 7 : i32
      scf.for %scan3A_156 = %scan3A_136 to %scan3A_138 step %scan3A_139  : i32 {
        %mul3A_157 = arith.constant 16 : i32
        %mul3A_158 = arith.muli %scan3A_156, %mul3A_157 : i32
        %get3A = arith.index_cast %mul3A_158 : i32 to index
        %get3A_159 = tpu.vector_load %arg11[%get3A] {strides = array<i32>} : memref<3136xi32, #tpu.memory_space<vmem>>, vector<16xi32>,
        tpu.vector_store_idx %arg15[%get3A_159], %broadcast_in_dim3A_20 {add = true} : memref<64xf32, #tpu.memory_space<vmem>>[vector<16xi32>], vector<16xf32>,
        %broadcast_in_dim3A_160 = arith.constant 0.000000e+00 : f32
        %broadcast_in_dim3A_161 = vector.broadcast %broadcast_in_dim3A_160 : f32 to vector<16xf32>
        %add3A_162 = arith.constant 0 : i32
        %add3A_163 = arith.addi %add3A_162, %mul3A_158 : i32
        %get3A_164 = arith.index_cast %add3A_163 : i32 to index
        %get3A_165 = tpu.vector_load %arg9[%get3A_164] {strides = array<i32>} : memref<9408xf32, #tpu.memory_space<vmem>>, vector<16xf32>,
        %add3A_166 = arith.constant 0 : i32
        %add3A_167 = arith.addi %add3A_166, %mul3A_158 : i32
        %get3A_168 = arith.index_cast %add3A_167 : i32 to index
        %get3A_169 = tpu.vector_load %arg10[%get3A_168] {strides = array<i32>} : memref<9408xf32, #tpu.memory_space<vmem>>, vector<16xf32>,
        %sub3A = arith.subf %get3A_165, %get3A_169 : vector<16xf32>
        %abs3A = math.absf %sub3A : vector<16xf32>
        %add3A_170 = arith.addf %broadcast_in_dim3A_161, %abs3A : vector<16xf32>
        %add3A_171 = arith.constant 3136 : i32
        %add3A_172 = arith.addi %add3A_171, %mul3A_158 : i32
        %get3A_173 = arith.index_cast %add3A_172 : i32 to index
        %get3A_174 = tpu.vector_load %arg9[%get3A_173] {strides = array<i32>} : memref<9408xf32, #tpu.memory_space<vmem>>, vector<16xf32>,
        %add3A_175 = arith.constant 3136 : i32
        %add3A_176 = arith.addi %add3A_175, %mul3A_158 : i32
        %get3A_177 = arith.index_cast %add3A_176 : i32 to index
        %get3A_178 = tpu.vector_load %arg10[%get3A_177] {strides = array<i32>} : memref<9408xf32, #tpu.memory_space<vmem>>, vector<16xf32>,
        %sub3A_179 = arith.subf %get3A_174, %get3A_178 : vector<16xf32>
        %abs3A_180 = math.absf %sub3A_179 : vector<16xf32>
        %add3A_181 = arith.addf %add3A_170, %abs3A_180 : vector<16xf32>
        %add3A_182 = arith.constant 6272 : i32
        %add3A_183 = arith.addi %add3A_182, %mul3A_158 : i32
        %get3A_184 = arith.index_cast %add3A_183 : i32 to index
        %get3A_185 = tpu.vector_load %arg9[%get3A_184] {strides = array<i32>} : memref<9408xf32, #tpu.memory_space<vmem>>, vector<16xf32>,
        %add3A_186 = arith.constant 6272 : i32
        %add3A_187 = arith.addi %add3A_186, %mul3A_158 : i32
        %get3A_188 = arith.index_cast %add3A_187 : i32 to index
        %get3A_189 = tpu.vector_load %arg10[%get3A_188] {strides = array<i32>} : memref<9408xf32, #tpu.memory_space<vmem>>, vector<16xf32>,
        %sub3A_190 = arith.subf %get3A_185, %get3A_189 : vector<16xf32>
        %abs3A_191 = math.absf %sub3A_190 : vector<16xf32>
        %add3A_192 = arith.addf %add3A_181, %abs3A_191 : vector<16xf32>
        tpu.vector_store_idx %arg14[%get3A_159], %add3A_192 {add = true} : memref<64xf32, #tpu.memory_space<vmem>>[vector<16xi32>], vector<16xf32>,
        %scan3A_193 = arith.constant 1 : i32
        %scan3A_194 = arith.addi %scan3A_156, %scan3A_193 : i32
        %mul3A_195 = arith.constant 16 : i32
        %mul3A_196 = arith.muli %scan3A_194, %mul3A_195 : i32
        %get3A_197 = arith.index_cast %mul3A_196 : i32 to index
        %get3A_198 = tpu.vector_load %arg11[%get3A_197] {strides = array<i32>} : memref<3136xi32, #tpu.memory_space<vmem>>, vector<16xi32>,
        tpu.vector_store_idx %arg15[%get3A_198], %broadcast_in_dim3A_20 {add = true} : memref<64xf32, #tpu.memory_space<vmem>>[vector<16xi32>], vector<16xf32>,
        %broadcast_in_dim3A_199 = arith.constant 0.000000e+00 : f32
        %broadcast_in_dim3A_200 = vector.broadcast %broadcast_in_dim3A_199 : f32 to vector<16xf32>
        %add3A_201 = arith.constant 0 : i32
        %add3A_202 = arith.addi %add3A_201, %mul3A_196 : i32
        %get3A_203 = arith.index_cast %add3A_202 : i32 to index
        %get3A_204 = tpu.vector_load %arg9[%get3A_203] {strides = array<i32>} : memref<9408xf32, #tpu.memory_space<vmem>>, vector<16xf32>,
        %add3A_205 = arith.constant 0 : i32
        %add3A_206 = arith.addi %add3A_205, %mul3A_196 : i32
        %get3A_207 = arith.index_cast %add3A_206 : i32 to index
        %get3A_208 = tpu.vector_load %arg10[%get3A_207] {strides = array<i32>} : memref<9408xf32, #tpu.memory_space<vmem>>, vector<16xf32>,
        %sub3A_209 = arith.subf %get3A_204, %get3A_208 : vector<16xf32>
        %abs3A_210 = math.absf %sub3A_209 : vector<16xf32>
        %add3A_211 = arith.addf %broadcast_in_dim3A_200, %abs3A_210 : vector<16xf32>
        %add3A_212 = arith.constant 3136 : i32
        %add3A_213 = arith.addi %add3A_212, %mul3A_196 : i32
        %get3A_214 = arith.index_cast %add3A_213 : i32 to index
        %get3A_215 = tpu.vector_load %arg9[%get3A_214] {strides = array<i32>} : memref<9408xf32, #tpu.memory_space<vmem>>, vector<16xf32>,
        %add3A_216 = arith.constant 3136 : i32
        %add3A_217 = arith.addi %add3A_216, %mul3A_196 : i32
        %get3A_218 = arith.index_cast %add3A_217 : i32 to index
        %get3A_219 = tpu.vector_load %arg10[%get3A_218] {strides = array<i32>} : memref<9408xf32, #tpu.memory_space<vmem>>, vector<16xf32>,
        %sub3A_220 = arith.subf %get3A_215, %get3A_219 : vector<16xf32>
        %abs3A_221 = math.absf %sub3A_220 : vector<16xf32>
        %add3A_222 = arith.addf %add3A_211, %abs3A_221 : vector<16xf32>
        %add3A_223 = arith.constant 6272 : i32
        %add3A_224 = arith.addi %add3A_223, %mul3A_196 : i32
        %get3A_225 = arith.index_cast %add3A_224 : i32 to index
        %get3A_226 = tpu.vector_load %arg9[%get3A_225] {strides = array<i32>} : memref<9408xf32, #tpu.memory_space<vmem>>, vector<16xf32>,
        %add3A_227 = arith.constant 6272 : i32
        %add3A_228 = arith.addi %add3A_227, %mul3A_196 : i32
        %get3A_229 = arith.index_cast %add3A_228 : i32 to index
        %get3A_230 = tpu.vector_load %arg10[%get3A_229] {strides = array<i32>} : memref<9408xf32, #tpu.memory_space<vmem>>, vector<16xf32>,
        %sub3A_231 = arith.subf %get3A_226, %get3A_230 : vector<16xf32>
        %abs3A_232 = math.absf %sub3A_231 : vector<16xf32>
        %add3A_233 = arith.addf %add3A_222, %abs3A_232 : vector<16xf32>
        tpu.vector_store_idx %arg14[%get3A_198], %add3A_233 {add = true} : memref<64xf32, #tpu.memory_space<vmem>>[vector<16xi32>], vector<16xf32>,
        %scan3A_234 = arith.constant 2 : i32
        %scan3A_235 = arith.addi %scan3A_156, %scan3A_234 : i32
        %mul3A_236 = arith.constant 16 : i32
        %mul3A_237 = arith.muli %scan3A_235, %mul3A_236 : i32
        %get3A_238 = arith.index_cast %mul3A_237 : i32 to index
        %get3A_239 = tpu.vector_load %arg11[%get3A_238] {strides = array<i32>} : memref<3136xi32, #tpu.memory_space<vmem>>, vector<16xi32>,
        tpu.vector_store_idx %arg15[%get3A_239], %broadcast_in_dim3A_20 {add = true} : memref<64xf32, #tpu.memory_space<vmem>>[vector<16xi32>], vector<16xf32>,
        %broadcast_in_dim3A_240 = arith.constant 0.000000e+00 : f32
        %broadcast_in_dim3A_241 = vector.broadcast %broadcast_in_dim3A_240 : f32 to vector<16xf32>
        %add3A_242 = arith.constant 0 : i32
        %add3A_243 = arith.addi %add3A_242, %mul3A_237 : i32
        %get3A_244 = arith.index_cast %add3A_243 : i32 to index
        %get3A_245 = tpu.vector_load %arg9[%get3A_244] {strides = array<i32>} : memref<9408xf32, #tpu.memory_space<vmem>>, vector<16xf32>,
        %add3A_246 = arith.constant 0 : i32
        %add3A_247 = arith.addi %add3A_246, %mul3A_237 : i32
        %get3A_248 = arith.index_cast %add3A_247 : i32 to index
        %get3A_249 = tpu.vector_load %arg10[%get3A_248] {strides = array<i32>} : memref<9408xf32, #tpu.memory_space<vmem>>, vector<16xf32>,
        %sub3A_250 = arith.subf %get3A_245, %get3A_249 : vector<16xf32>
        %abs3A_251 = math.absf %sub3A_250 : vector<16xf32>
        %add3A_252 = arith.addf %broadcast_in_dim3A_241, %abs3A_251 : vector<16xf32>
        %add3A_253 = arith.constant 3136 : i32
        %add3A_254 = arith.addi %add3A_253, %mul3A_237 : i32
        %get3A_255 = arith.index_cast %add3A_254 : i32 to index
        %get3A_256 = tpu.vector_load %arg9[%get3A_255] {strides = array<i32>} : memref<9408xf32, #tpu.memory_space<vmem>>, vector<16xf32>,
        %add3A_257 = arith.constant 3136 : i32
        %add3A_258 = arith.addi %add3A_257, %mul3A_237 : i32
        %get3A_259 = arith.index_cast %add3A_258 : i32 to index
        %get3A_260 = tpu.vector_load %arg10[%get3A_259] {strides = array<i32>} : memref<9408xf32, #tpu.memory_space<vmem>>, vector<16xf32>,
        %sub3A_261 = arith.subf %get3A_256, %get3A_260 : vector<16xf32>
        %abs3A_262 = math.absf %sub3A_261 : vector<16xf32>
        %add3A_263 = arith.addf %add3A_252, %abs3A_262 : vector<16xf32>
        %add3A_264 = arith.constant 6272 : i32
        %add3A_265 = arith.addi %add3A_264, %mul3A_237 : i32
        %get3A_266 = arith.index_cast %add3A_265 : i32 to index
        %get3A_267 = tpu.vector_load %arg9[%get3A_266] {strides = array<i32>} : memref<9408xf32, #tpu.memory_space<vmem>>, vector<16xf32>,
        %add3A_268 = arith.constant 6272 : i32
        %add3A_269 = arith.addi %add3A_268, %mul3A_237 : i32
        %get3A_270 = arith.index_cast %add3A_269 : i32 to index
        %get3A_271 = tpu.vector_load %arg10[%get3A_270] {strides = array<i32>} : memref<9408xf32, #tpu.memory_space<vmem>>, vector<16xf32>,
        %sub3A_272 = arith.subf %get3A_267, %get3A_271 : vector<16xf32>
        %abs3A_273 = math.absf %sub3A_272 : vector<16xf32>
        %add3A_274 = arith.addf %add3A_263, %abs3A_273 : vector<16xf32>
        tpu.vector_store_idx %arg14[%get3A_239], %add3A_274 {add = true} : memref<64xf32, #tpu.memory_space<vmem>>[vector<16xi32>], vector<16xf32>,
        %scan3A_275 = arith.constant 3 : i32
        %scan3A_276 = arith.addi %scan3A_156, %scan3A_275 : i32
        %mul3A_277 = arith.constant 16 : i32
        %mul3A_278 = arith.muli %scan3A_276, %mul3A_277 : i32
        %get3A_279 = arith.index_cast %mul3A_278 : i32 to index
        %get3A_280 = tpu.vector_load %arg11[%get3A_279] {strides = array<i32>} : memref<3136xi32, #tpu.memory_space<vmem>>, vector<16xi32>,
        tpu.vector_store_idx %arg15[%get3A_280], %broadcast_in_dim3A_20 {add = true} : memref<64xf32, #tpu.memory_space<vmem>>[vector<16xi32>], vector<16xf32>,
        %broadcast_in_dim3A_281 = arith.constant 0.000000e+00 : f32
        %broadcast_in_dim3A_282 = vector.broadcast %broadcast_in_dim3A_281 : f32 to vector<16xf32>
        %add3A_283 = arith.constant 0 : i32
        %add3A_284 = arith.addi %add3A_283, %mul3A_278 : i32
        %get3A_285 = arith.index_cast %add3A_284 : i32 to index
        %get3A_286 = tpu.vector_load %arg9[%get3A_285] {strides = array<i32>} : memref<9408xf32, #tpu.memory_space<vmem>>, vector<16xf32>,
        %add3A_287 = arith.constant 0 : i32
        %add3A_288 = arith.addi %add3A_287, %mul3A_278 : i32
        %get3A_289 = arith.index_cast %add3A_288 : i32 to index
        %get3A_290 = tpu.vector_load %arg10[%get3A_289] {strides = array<i32>} : memref<9408xf32, #tpu.memory_space<vmem>>, vector<16xf32>,
        %sub3A_291 = arith.subf %get3A_286, %get3A_290 : vector<16xf32>
        %abs3A_292 = math.absf %sub3A_291 : vector<16xf32>
        %add3A_293 = arith.addf %broadcast_in_dim3A_282, %abs3A_292 : vector<16xf32>
        %add3A_294 = arith.constant 3136 : i32
        %add3A_295 = arith.addi %add3A_294, %mul3A_278 : i32
        %get3A_296 = arith.index_cast %add3A_295 : i32 to index
        %get3A_297 = tpu.vector_load %arg9[%get3A_296] {strides = array<i32>} : memref<9408xf32, #tpu.memory_space<vmem>>, vector<16xf32>,
        %add3A_298 = arith.constant 3136 : i32
        %add3A_299 = arith.addi %add3A_298, %mul3A_278 : i32
        %get3A_300 = arith.index_cast %add3A_299 : i32 to index
        %get3A_301 = tpu.vector_load %arg10[%get3A_300] {strides = array<i32>} : memref<9408xf32, #tpu.memory_space<vmem>>, vector<16xf32>,
        %sub3A_302 = arith.subf %get3A_297, %get3A_301 : vector<16xf32>
        %abs3A_303 = math.absf %sub3A_302 : vector<16xf32>
        %add3A_304 = arith.addf %add3A_293, %abs3A_303 : vector<16xf32>
        %add3A_305 = arith.constant 6272 : i32
        %add3A_306 = arith.addi %add3A_305, %mul3A_278 : i32
        %get3A_307 = arith.index_cast %add3A_306 : i32 to index
        %get3A_308 = tpu.vector_load %arg9[%get3A_307] {strides = array<i32>} : memref<9408xf32, #tpu.memory_space<vmem>>, vector<16xf32>,
        %add3A_309 = arith.constant 6272 : i32
        %add3A_310 = arith.addi %add3A_309, %mul3A_278 : i32
        %get3A_311 = arith.index_cast %add3A_310 : i32 to index
        %get3A_312 = tpu.vector_load %arg10[%get3A_311] {strides = array<i32>} : memref<9408xf32, #tpu.memory_space<vmem>>, vector<16xf32>,
        %sub3A_313 = arith.subf %get3A_308, %get3A_312 : vector<16xf32>
        %abs3A_314 = math.absf %sub3A_313 : vector<16xf32>
        %add3A_315 = arith.addf %add3A_304, %abs3A_314 : vector<16xf32>
        tpu.vector_store_idx %arg14[%get3A_280], %add3A_315 {add = true} : memref<64xf32, #tpu.memory_space<vmem>>[vector<16xi32>], vector<16xf32>,
        %scan3A_316 = arith.constant 4 : i32
        %scan3A_317 = arith.addi %scan3A_156, %scan3A_316 : i32
        %mul3A_318 = arith.constant 16 : i32
        %mul3A_319 = arith.muli %scan3A_317, %mul3A_318 : i32
        %get3A_320 = arith.index_cast %mul3A_319 : i32 to index
        %get3A_321 = tpu.vector_load %arg11[%get3A_320] {strides = array<i32>} : memref<3136xi32, #tpu.memory_space<vmem>>, vector<16xi32>,
        tpu.vector_store_idx %arg15[%get3A_321], %broadcast_in_dim3A_20 {add = true} : memref<64xf32, #tpu.memory_space<vmem>>[vector<16xi32>], vector<16xf32>,
        %broadcast_in_dim3A_322 = arith.constant 0.000000e+00 : f32
        %broadcast_in_dim3A_323 = vector.broadcast %broadcast_in_dim3A_322 : f32 to vector<16xf32>
        %add3A_324 = arith.constant 0 : i32
        %add3A_325 = arith.addi %add3A_324, %mul3A_319 : i32
        %get3A_326 = arith.index_cast %add3A_325 : i32 to index
        %get3A_327 = tpu.vector_load %arg9[%get3A_326] {strides = array<i32>} : memref<9408xf32, #tpu.memory_space<vmem>>, vector<16xf32>,
        %add3A_328 = arith.constant 0 : i32
        %add3A_329 = arith.addi %add3A_328, %mul3A_319 : i32
        %get3A_330 = arith.index_cast %add3A_329 : i32 to index
        %get3A_331 = tpu.vector_load %arg10[%get3A_330] {strides = array<i32>} : memref<9408xf32, #tpu.memory_space<vmem>>, vector<16xf32>,
        %sub3A_332 = arith.subf %get3A_327, %get3A_331 : vector<16xf32>
        %abs3A_333 = math.absf %sub3A_332 : vector<16xf32>
        %add3A_334 = arith.addf %broadcast_in_dim3A_323, %abs3A_333 : vector<16xf32>
        %add3A_335 = arith.constant 3136 : i32
        %add3A_336 = arith.addi %add3A_335, %mul3A_319 : i32
        %get3A_337 = arith.index_cast %add3A_336 : i32 to index
        %get3A_338 = tpu.vector_load %arg9[%get3A_337] {strides = array<i32>} : memref<9408xf32, #tpu.memory_space<vmem>>, vector<16xf32>,
        %add3A_339 = arith.constant 3136 : i32
        %add3A_340 = arith.addi %add3A_339, %mul3A_319 : i32
        %get3A_341 = arith.index_cast %add3A_340 : i32 to index
        %get3A_342 = tpu.vector_load %arg10[%get3A_341] {strides = array<i32>} : memref<9408xf32, #tpu.memory_space<vmem>>, vector<16xf32>,
        %sub3A_343 = arith.subf %get3A_338, %get3A_342 : vector<16xf32>
        %abs3A_344 = math.absf %sub3A_343 : vector<16xf32>
        %add3A_345 = arith.addf %add3A_334, %abs3A_344 : vector<16xf32>
        %add3A_346 = arith.constant 6272 : i32
        %add3A_347 = arith.addi %add3A_346, %mul3A_319 : i32
        %get3A_348 = arith.index_cast %add3A_347 : i32 to index
        %get3A_349 = tpu.vector_load %arg9[%get3A_348] {strides = array<i32>} : memref<9408xf32, #tpu.memory_space<vmem>>, vector<16xf32>,
        %add3A_350 = arith.constant 6272 : i32
        %add3A_351 = arith.addi %add3A_350, %mul3A_319 : i32
        %get3A_352 = arith.index_cast %add3A_351 : i32 to index
        %get3A_353 = tpu.vector_load %arg10[%get3A_352] {strides = array<i32>} : memref<9408xf32, #tpu.memory_space<vmem>>, vector<16xf32>,
        %sub3A_354 = arith.subf %get3A_349, %get3A_353 : vector<16xf32>
        %abs3A_355 = math.absf %sub3A_354 : vector<16xf32>
        %add3A_356 = arith.addf %add3A_345, %abs3A_355 : vector<16xf32>
        tpu.vector_store_idx %arg14[%get3A_321], %add3A_356 {add = true} : memref<64xf32, #tpu.memory_space<vmem>>[vector<16xi32>], vector<16xf32>,
        %scan3A_357 = arith.constant 5 : i32
        %scan3A_358 = arith.addi %scan3A_156, %scan3A_357 : i32
        %mul3A_359 = arith.constant 16 : i32
        %mul3A_360 = arith.muli %scan3A_358, %mul3A_359 : i32
        %get3A_361 = arith.index_cast %mul3A_360 : i32 to index
        %get3A_362 = tpu.vector_load %arg11[%get3A_361] {strides = array<i32>} : memref<3136xi32, #tpu.memory_space<vmem>>, vector<16xi32>,
        tpu.vector_store_idx %arg15[%get3A_362], %broadcast_in_dim3A_20 {add = true} : memref<64xf32, #tpu.memory_space<vmem>>[vector<16xi32>], vector<16xf32>,
        %broadcast_in_dim3A_363 = arith.constant 0.000000e+00 : f32
        %broadcast_in_dim3A_364 = vector.broadcast %broadcast_in_dim3A_363 : f32 to vector<16xf32>
        %add3A_365 = arith.constant 0 : i32
        %add3A_366 = arith.addi %add3A_365, %mul3A_360 : i32
        %get3A_367 = arith.index_cast %add3A_366 : i32 to index
        %get3A_368 = tpu.vector_load %arg9[%get3A_367] {strides = array<i32>} : memref<9408xf32, #tpu.memory_space<vmem>>, vector<16xf32>,
        %add3A_369 = arith.constant 0 : i32
        %add3A_370 = arith.addi %add3A_369, %mul3A_360 : i32
        %get3A_371 = arith.index_cast %add3A_370 : i32 to index
        %get3A_372 = tpu.vector_load %arg10[%get3A_371] {strides = array<i32>} : memref<9408xf32, #tpu.memory_space<vmem>>, vector<16xf32>,
        %sub3A_373 = arith.subf %get3A_368, %get3A_372 : vector<16xf32>
        %abs3A_374 = math.absf %sub3A_373 : vector<16xf32>
        %add3A_375 = arith.addf %broadcast_in_dim3A_364, %abs3A_374 : vector<16xf32>
        %add3A_376 = arith.constant 3136 : i32
        %add3A_377 = arith.addi %add3A_376, %mul3A_360 : i32
        %get3A_378 = arith.index_cast %add3A_377 : i32 to index
        %get3A_379 = tpu.vector_load %arg9[%get3A_378] {strides = array<i32>} : memref<9408xf32, #tpu.memory_space<vmem>>, vector<16xf32>,
        %add3A_380 = arith.constant 3136 : i32
        %add3A_381 = arith.addi %add3A_380, %mul3A_360 : i32
        %get3A_382 = arith.index_cast %add3A_381 : i32 to index
        %get3A_383 = tpu.vector_load %arg10[%get3A_382] {strides = array<i32>} : memref<9408xf32, #tpu.memory_space<vmem>>, vector<16xf32>,
        %sub3A_384 = arith.subf %get3A_379, %get3A_383 : vector<16xf32>
        %abs3A_385 = math.absf %sub3A_384 : vector<16xf32>
        %add3A_386 = arith.addf %add3A_375, %abs3A_385 : vector<16xf32>
        %add3A_387 = arith.constant 6272 : i32
        %add3A_388 = arith.addi %add3A_387, %mul3A_360 : i32
        %get3A_389 = arith.index_cast %add3A_388 : i32 to index
        %get3A_390 = tpu.vector_load %arg9[%get3A_389] {strides = array<i32>} : memref<9408xf32, #tpu.memory_space<vmem>>, vector<16xf32>,
        %add3A_391 = arith.constant 6272 : i32
        %add3A_392 = arith.addi %add3A_391, %mul3A_360 : i32
        %get3A_393 = arith.index_cast %add3A_392 : i32 to index
        %get3A_394 = tpu.vector_load %arg10[%get3A_393] {strides = array<i32>} : memref<9408xf32, #tpu.memory_space<vmem>>, vector<16xf32>,
        %sub3A_395 = arith.subf %get3A_390, %get3A_394 : vector<16xf32>
        %abs3A_396 = math.absf %sub3A_395 : vector<16xf32>
        %add3A_397 = arith.addf %add3A_386, %abs3A_396 : vector<16xf32>
        tpu.vector_store_idx %arg14[%get3A_362], %add3A_397 {add = true} : memref<64xf32, #tpu.memory_space<vmem>>[vector<16xi32>], vector<16xf32>,
        %scan3A_398 = arith.constant 6 : i32
        %scan3A_399 = arith.addi %scan3A_156, %scan3A_398 : i32
        %mul3A_400 = arith.constant 16 : i32
        %mul3A_401 = arith.muli %scan3A_399, %mul3A_400 : i32
        %get3A_402 = arith.index_cast %mul3A_401 : i32 to index
        %get3A_403 = tpu.vector_load %arg11[%get3A_402] {strides = array<i32>} : memref<3136xi32, #tpu.memory_space<vmem>>, vector<16xi32>,
        tpu.vector_store_idx %arg15[%get3A_403], %broadcast_in_dim3A_20 {add = true} : memref<64xf32, #tpu.memory_space<vmem>>[vector<16xi32>], vector<16xf32>,
        %broadcast_in_dim3A_404 = arith.constant 0.000000e+00 : f32
        %broadcast_in_dim3A_405 = vector.broadcast %broadcast_in_dim3A_404 : f32 to vector<16xf32>
        %add3A_406 = arith.constant 0 : i32
        %add3A_407 = arith.addi %add3A_406, %mul3A_401 : i32
        %get3A_408 = arith.index_cast %add3A_407 : i32 to index
        %get3A_409 = tpu.vector_load %arg9[%get3A_408] {strides = array<i32>} : memref<9408xf32, #tpu.memory_space<vmem>>, vector<16xf32>,
        %add3A_410 = arith.constant 0 : i32
        %add3A_411 = arith.addi %add3A_410, %mul3A_401 : i32
        %get3A_412 = arith.index_cast %add3A_411 : i32 to index
        %get3A_413 = tpu.vector_load %arg10[%get3A_412] {strides = array<i32>} : memref<9408xf32, #tpu.memory_space<vmem>>, vector<16xf32>,
        %sub3A_414 = arith.subf %get3A_409, %get3A_413 : vector<16xf32>
        %abs3A_415 = math.absf %sub3A_414 : vector<16xf32>
        %add3A_416 = arith.addf %broadcast_in_dim3A_405, %abs3A_415 : vector<16xf32>
        %add3A_417 = arith.constant 3136 : i32
        %add3A_418 = arith.addi %add3A_417, %mul3A_401 : i32
        %get3A_419 = arith.index_cast %add3A_418 : i32 to index
        %get3A_420 = tpu.vector_load %arg9[%get3A_419] {strides = array<i32>} : memref<9408xf32, #tpu.memory_space<vmem>>, vector<16xf32>,
        %add3A_421 = arith.constant 3136 : i32
        %add3A_422 = arith.addi %add3A_421, %mul3A_401 : i32
        %get3A_423 = arith.index_cast %add3A_422 : i32 to index
        %get3A_424 = tpu.vector_load %arg10[%get3A_423] {strides = array<i32>} : memref<9408xf32, #tpu.memory_space<vmem>>, vector<16xf32>,
        %sub3A_425 = arith.subf %get3A_420, %get3A_424 : vector<16xf32>
        %abs3A_426 = math.absf %sub3A_425 : vector<16xf32>
        %add3A_427 = arith.addf %add3A_416, %abs3A_426 : vector<16xf32>
        %add3A_428 = arith.constant 6272 : i32
        %add3A_429 = arith.addi %add3A_428, %mul3A_401 : i32
        %get3A_430 = arith.index_cast %add3A_429 : i32 to index
        %get3A_431 = tpu.vector_load %arg9[%get3A_430] {strides = array<i32>} : memref<9408xf32, #tpu.memory_space<vmem>>, vector<16xf32>,
        %add3A_432 = arith.constant 6272 : i32
        %add3A_433 = arith.addi %add3A_432, %mul3A_401 : i32
        %get3A_434 = arith.index_cast %add3A_433 : i32 to index
        %get3A_435 = tpu.vector_load %arg10[%get3A_434] {strides = array<i32>} : memref<9408xf32, #tpu.memory_space<vmem>>, vector<16xf32>,
        %sub3A_436 = arith.subf %get3A_431, %get3A_435 : vector<16xf32>
        %abs3A_437 = math.absf %sub3A_436 : vector<16xf32>
        %add3A_438 = arith.addf %add3A_427, %abs3A_437 : vector<16xf32>
        tpu.vector_store_idx %arg14[%get3A_403], %add3A_438 {add = true} : memref<64xf32, #tpu.memory_space<vmem>>[vector<16xi32>], vector<16xf32>,
      }
      %scan3A_140 = arith.constant 196 : i32
      %dma_wait3A_141 = arith.constant 0 : i32
      %dma_wait3A_142 = arith.constant 0 : i32
      %dma_wait3A_143 = tpu.memref_slice %arg5[%dma_wait3A_141, %dma_wait3A_142] : memref<1600000x8xf32, #tpu.memory_space<hbm>> -> memref<1600000x8xf32, #tpu.memory_space<hbm>>
      tpu.wait_indirect_dma semaphore(%arg18 : memref<!tpu.dma_semaphore, #tpu.memory_space<semaphore_mem>>) src(%dma_wait3A_143 : memref<1600000x8xf32, #tpu.memory_space<hbm>>) dst(%arg13 : memref<3136x8xf32, #tpu.memory_space<vmem>>)
      %broadcast_in_dim3A_144 = arith.constant 3 : i32
      %broadcast_in_dim3A_145 = vector.broadcast %broadcast_in_dim3A_144 : i32 to vector<16xi32>
      %broadcast_in_dim3A_146 = arith.constant 4 : i32
      %broadcast_in_dim3A_147 = vector.broadcast %broadcast_in_dim3A_146 : i32 to vector<16xi32>
      %scan3A_148 = arith.constant 0 : i32
      %scan3A_149 = arith.constant 196 : i32
      %scan3A_150 = arith.addi %scan3A_148, %scan3A_149 : i32
      %scan3A_151 = arith.constant 7 : i32
      %scan3A_152 = scf.for %scan3A_156 = %scan3A_148 to %scan3A_150 step %scan3A_151 iter_args(%scan3A_157 = %broadcast_in_dim3A_3) -> (vector<16xf32>)  : i32 {
        %mul3A_158 = arith.constant 16 : i32
        %mul3A_159 = arith.muli %scan3A_156, %mul3A_158 : i32
        %add3A_160 = vector.broadcast %mul3A_159 : i32 to vector<16xi32>
        %add3A_161 = arith.addi %add3A_160, %iota3A : vector<16xi32>
        %gather3A = tpu.vector_load_idx %arg13[%add3A_161, %broadcast_in_dim3A_145] : memref<3136x8xf32, #tpu.memory_space<vmem>>[vector<16xi32>, vector<16xi32>], vector<16xf32>,
        %gather3A_162 = tpu.vector_load_idx %arg13[%add3A_161, %broadcast_in_dim3A_147] : memref<3136x8xf32, #tpu.memory_space<vmem>>[vector<16xi32>, vector<16xi32>], vector<16xf32>,
        %mul3A_163 = arith.mulf %gather3A, %gather3A : vector<16xf32>
        %mul3A_164 = arith.mulf %gather3A_162, %gather3A_162 : vector<16xf32>
        %add3A_165 = arith.addf %mul3A_163, %mul3A_164 : vector<16xf32>
        %bitcast3A = vector.bitcast %add3A_165 : vector<16xf32> to vector<16xi32>
        %shift_right_logical3A = arith.constant 1 : i32
        %shift_right_logical3A_166 = vector.broadcast %shift_right_logical3A : i32 to vector<16xi32>
        %shift_right_logical3A_167 = arith.shrui %bitcast3A, %shift_right_logical3A_166 : vector<16xi32>
        %add3A_168 = arith.constant 532487669 : i32
        %add3A_169 = vector.broadcast %add3A_168 : i32 to vector<16xi32>
        %add3A_170 = arith.addi %shift_right_logical3A_167, %add3A_169 : vector<16xi32>
        %bitcast3A_171 = vector.bitcast %add3A_170 : vector<16xi32> to vector<16xf32>
        %div3A = arith.divf %add3A_165, %bitcast3A_171 : vector<16xf32>
        %add3A_172 = arith.addf %bitcast3A_171, %div3A : vector<16xf32>
        %mul3A_173 = arith.constant 5.000000e-01 : f32
        %mul3A_174 = vector.broadcast %mul3A_173 : f32 to vector<16xf32>
        %mul3A_175 = arith.mulf %mul3A_174, %add3A_172 : vector<16xf32>
        %div3A_176 = arith.divf %add3A_165, %mul3A_175 : vector<16xf32>
        %add3A_177 = arith.addf %mul3A_175, %div3A_176 : vector<16xf32>
        %mul3A_178 = arith.constant 5.000000e-01 : f32
        %mul3A_179 = vector.broadcast %mul3A_178 : f32 to vector<16xf32>
        %mul3A_180 = arith.mulf %mul3A_179, %add3A_177 : vector<16xf32>
        %add3A_181 = arith.addf %scan3A_157, %mul3A_180 : vector<16xf32>
        %scan3A_182 = arith.constant 1 : i32
        %scan3A_183 = arith.addi %scan3A_156, %scan3A_182 : i32
        %mul3A_184 = arith.constant 16 : i32
        %mul3A_185 = arith.muli %scan3A_183, %mul3A_184 : i32
        %add3A_186 = vector.broadcast %mul3A_185 : i32 to vector<16xi32>
        %add3A_187 = arith.addi %add3A_186, %iota3A : vector<16xi32>
        %gather3A_188 = tpu.vector_load_idx %arg13[%add3A_187, %broadcast_in_dim3A_145] : memref<3136x8xf32, #tpu.memory_space<vmem>>[vector<16xi32>, vector<16xi32>], vector<16xf32>,
        %gather3A_189 = tpu.vector_load_idx %arg13[%add3A_187, %broadcast_in_dim3A_147] : memref<3136x8xf32, #tpu.memory_space<vmem>>[vector<16xi32>, vector<16xi32>], vector<16xf32>,
        %mul3A_190 = arith.mulf %gather3A_188, %gather3A_188 : vector<16xf32>
        %mul3A_191 = arith.mulf %gather3A_189, %gather3A_189 : vector<16xf32>
        %add3A_192 = arith.addf %mul3A_190, %mul3A_191 : vector<16xf32>
        %bitcast3A_193 = vector.bitcast %add3A_192 : vector<16xf32> to vector<16xi32>
        %shift_right_logical3A_194 = arith.constant 1 : i32
        %shift_right_logical3A_195 = vector.broadcast %shift_right_logical3A_194 : i32 to vector<16xi32>
        %shift_right_logical3A_196 = arith.shrui %bitcast3A_193, %shift_right_logical3A_195 : vector<16xi32>
        %add3A_197 = arith.constant 532487669 : i32
        %add3A_198 = vector.broadcast %add3A_197 : i32 to vector<16xi32>
        %add3A_199 = arith.addi %shift_right_logical3A_196, %add3A_198 : vector<16xi32>
        %bitcast3A_200 = vector.bitcast %add3A_199 : vector<16xi32> to vector<16xf32>
        %div3A_201 = arith.divf %add3A_192, %bitcast3A_200 : vector<16xf32>
        %add3A_202 = arith.addf %bitcast3A_200, %div3A_201 : vector<16xf32>
        %mul3A_203 = arith.constant 5.000000e-01 : f32
        %mul3A_204 = vector.broadcast %mul3A_203 : f32 to vector<16xf32>
        %mul3A_205 = arith.mulf %mul3A_204, %add3A_202 : vector<16xf32>
        %div3A_206 = arith.divf %add3A_192, %mul3A_205 : vector<16xf32>
        %add3A_207 = arith.addf %mul3A_205, %div3A_206 : vector<16xf32>
        %mul3A_208 = arith.constant 5.000000e-01 : f32
        %mul3A_209 = vector.broadcast %mul3A_208 : f32 to vector<16xf32>
        %mul3A_210 = arith.mulf %mul3A_209, %add3A_207 : vector<16xf32>
        %add3A_211 = arith.addf %add3A_181, %mul3A_210 : vector<16xf32>
        %scan3A_212 = arith.constant 2 : i32
        %scan3A_213 = arith.addi %scan3A_156, %scan3A_212 : i32
        %mul3A_214 = arith.constant 16 : i32
        %mul3A_215 = arith.muli %scan3A_213, %mul3A_214 : i32
        %add3A_216 = vector.broadcast %mul3A_215 : i32 to vector<16xi32>
        %add3A_217 = arith.addi %add3A_216, %iota3A : vector<16xi32>
        %gather3A_218 = tpu.vector_load_idx %arg13[%add3A_217, %broadcast_in_dim3A_145] : memref<3136x8xf32, #tpu.memory_space<vmem>>[vector<16xi32>, vector<16xi32>], vector<16xf32>,
        %gather3A_219 = tpu.vector_load_idx %arg13[%add3A_217, %broadcast_in_dim3A_147] : memref<3136x8xf32, #tpu.memory_space<vmem>>[vector<16xi32>, vector<16xi32>], vector<16xf32>,
        %mul3A_220 = arith.mulf %gather3A_218, %gather3A_218 : vector<16xf32>
        %mul3A_221 = arith.mulf %gather3A_219, %gather3A_219 : vector<16xf32>
        %add3A_222 = arith.addf %mul3A_220, %mul3A_221 : vector<16xf32>
        %bitcast3A_223 = vector.bitcast %add3A_222 : vector<16xf32> to vector<16xi32>
        %shift_right_logical3A_224 = arith.constant 1 : i32
        %shift_right_logical3A_225 = vector.broadcast %shift_right_logical3A_224 : i32 to vector<16xi32>
        %shift_right_logical3A_226 = arith.shrui %bitcast3A_223, %shift_right_logical3A_225 : vector<16xi32>
        %add3A_227 = arith.constant 532487669 : i32
        %add3A_228 = vector.broadcast %add3A_227 : i32 to vector<16xi32>
        %add3A_229 = arith.addi %shift_right_logical3A_226, %add3A_228 : vector<16xi32>
        %bitcast3A_230 = vector.bitcast %add3A_229 : vector<16xi32> to vector<16xf32>
        %div3A_231 = arith.divf %add3A_222, %bitcast3A_230 : vector<16xf32>
        %add3A_232 = arith.addf %bitcast3A_230, %div3A_231 : vector<16xf32>
        %mul3A_233 = arith.constant 5.000000e-01 : f32
        %mul3A_234 = vector.broadcast %mul3A_233 : f32 to vector<16xf32>
        %mul3A_235 = arith.mulf %mul3A_234, %add3A_232 : vector<16xf32>
        %div3A_236 = arith.divf %add3A_222, %mul3A_235 : vector<16xf32>
        %add3A_237 = arith.addf %mul3A_235, %div3A_236 : vector<16xf32>
        %mul3A_238 = arith.constant 5.000000e-01 : f32
        %mul3A_239 = vector.broadcast %mul3A_238 : f32 to vector<16xf32>
        %mul3A_240 = arith.mulf %mul3A_239, %add3A_237 : vector<16xf32>
        %add3A_241 = arith.addf %add3A_211, %mul3A_240 : vector<16xf32>
        %scan3A_242 = arith.constant 3 : i32
        %scan3A_243 = arith.addi %scan3A_156, %scan3A_242 : i32
        %mul3A_244 = arith.constant 16 : i32
        %mul3A_245 = arith.muli %scan3A_243, %mul3A_244 : i32
        %add3A_246 = vector.broadcast %mul3A_245 : i32 to vector<16xi32>
        %add3A_247 = arith.addi %add3A_246, %iota3A : vector<16xi32>
        %gather3A_248 = tpu.vector_load_idx %arg13[%add3A_247, %broadcast_in_dim3A_145] : memref<3136x8xf32, #tpu.memory_space<vmem>>[vector<16xi32>, vector<16xi32>], vector<16xf32>,
        %gather3A_249 = tpu.vector_load_idx %arg13[%add3A_247, %broadcast_in_dim3A_147] : memref<3136x8xf32, #tpu.memory_space<vmem>>[vector<16xi32>, vector<16xi32>], vector<16xf32>,
        %mul3A_250 = arith.mulf %gather3A_248, %gather3A_248 : vector<16xf32>
        %mul3A_251 = arith.mulf %gather3A_249, %gather3A_249 : vector<16xf32>
        %add3A_252 = arith.addf %mul3A_250, %mul3A_251 : vector<16xf32>
        %bitcast3A_253 = vector.bitcast %add3A_252 : vector<16xf32> to vector<16xi32>
        %shift_right_logical3A_254 = arith.constant 1 : i32
        %shift_right_logical3A_255 = vector.broadcast %shift_right_logical3A_254 : i32 to vector<16xi32>
        %shift_right_logical3A_256 = arith.shrui %bitcast3A_253, %shift_right_logical3A_255 : vector<16xi32>
        %add3A_257 = arith.constant 532487669 : i32
        %add3A_258 = vector.broadcast %add3A_257 : i32 to vector<16xi32>
        %add3A_259 = arith.addi %shift_right_logical3A_256, %add3A_258 : vector<16xi32>
        %bitcast3A_260 = vector.bitcast %add3A_259 : vector<16xi32> to vector<16xf32>
        %div3A_261 = arith.divf %add3A_252, %bitcast3A_260 : vector<16xf32>
        %add3A_262 = arith.addf %bitcast3A_260, %div3A_261 : vector<16xf32>
        %mul3A_263 = arith.constant 5.000000e-01 : f32
        %mul3A_264 = vector.broadcast %mul3A_263 : f32 to vector<16xf32>
        %mul3A_265 = arith.mulf %mul3A_264, %add3A_262 : vector<16xf32>
        %div3A_266 = arith.divf %add3A_252, %mul3A_265 : vector<16xf32>
        %add3A_267 = arith.addf %mul3A_265, %div3A_266 : vector<16xf32>
        %mul3A_268 = arith.constant 5.000000e-01 : f32
        %mul3A_269 = vector.broadcast %mul3A_268 : f32 to vector<16xf32>
        %mul3A_270 = arith.mulf %mul3A_269, %add3A_267 : vector<16xf32>
        %add3A_271 = arith.addf %add3A_241, %mul3A_270 : vector<16xf32>
        %scan3A_272 = arith.constant 4 : i32
        %scan3A_273 = arith.addi %scan3A_156, %scan3A_272 : i32
        %mul3A_274 = arith.constant 16 : i32
        %mul3A_275 = arith.muli %scan3A_273, %mul3A_274 : i32
        %add3A_276 = vector.broadcast %mul3A_275 : i32 to vector<16xi32>
        %add3A_277 = arith.addi %add3A_276, %iota3A : vector<16xi32>
        %gather3A_278 = tpu.vector_load_idx %arg13[%add3A_277, %broadcast_in_dim3A_145] : memref<3136x8xf32, #tpu.memory_space<vmem>>[vector<16xi32>, vector<16xi32>], vector<16xf32>,
        %gather3A_279 = tpu.vector_load_idx %arg13[%add3A_277, %broadcast_in_dim3A_147] : memref<3136x8xf32, #tpu.memory_space<vmem>>[vector<16xi32>, vector<16xi32>], vector<16xf32>,
        %mul3A_280 = arith.mulf %gather3A_278, %gather3A_278 : vector<16xf32>
        %mul3A_281 = arith.mulf %gather3A_279, %gather3A_279 : vector<16xf32>
        %add3A_282 = arith.addf %mul3A_280, %mul3A_281 : vector<16xf32>
        %bitcast3A_283 = vector.bitcast %add3A_282 : vector<16xf32> to vector<16xi32>
        %shift_right_logical3A_284 = arith.constant 1 : i32
        %shift_right_logical3A_285 = vector.broadcast %shift_right_logical3A_284 : i32 to vector<16xi32>
        %shift_right_logical3A_286 = arith.shrui %bitcast3A_283, %shift_right_logical3A_285 : vector<16xi32>
        %add3A_287 = arith.constant 532487669 : i32
        %add3A_288 = vector.broadcast %add3A_287 : i32 to vector<16xi32>
        %add3A_289 = arith.addi %shift_right_logical3A_286, %add3A_288 : vector<16xi32>
        %bitcast3A_290 = vector.bitcast %add3A_289 : vector<16xi32> to vector<16xf32>
        %div3A_291 = arith.divf %add3A_282, %bitcast3A_290 : vector<16xf32>
        %add3A_292 = arith.addf %bitcast3A_290, %div3A_291 : vector<16xf32>
        %mul3A_293 = arith.constant 5.000000e-01 : f32
        %mul3A_294 = vector.broadcast %mul3A_293 : f32 to vector<16xf32>
        %mul3A_295 = arith.mulf %mul3A_294, %add3A_292 : vector<16xf32>
        %div3A_296 = arith.divf %add3A_282, %mul3A_295 : vector<16xf32>
        %add3A_297 = arith.addf %mul3A_295, %div3A_296 : vector<16xf32>
        %mul3A_298 = arith.constant 5.000000e-01 : f32
        %mul3A_299 = vector.broadcast %mul3A_298 : f32 to vector<16xf32>
        %mul3A_300 = arith.mulf %mul3A_299, %add3A_297 : vector<16xf32>
        %add3A_301 = arith.addf %add3A_271, %mul3A_300 : vector<16xf32>
        %scan3A_302 = arith.constant 5 : i32
        %scan3A_303 = arith.addi %scan3A_156, %scan3A_302 : i32
        %mul3A_304 = arith.constant 16 : i32
        %mul3A_305 = arith.muli %scan3A_303, %mul3A_304 : i32
        %add3A_306 = vector.broadcast %mul3A_305 : i32 to vector<16xi32>
        %add3A_307 = arith.addi %add3A_306, %iota3A : vector<16xi32>
        %gather3A_308 = tpu.vector_load_idx %arg13[%add3A_307, %broadcast_in_dim3A_145] : memref<3136x8xf32, #tpu.memory_space<vmem>>[vector<16xi32>, vector<16xi32>], vector<16xf32>,
        %gather3A_309 = tpu.vector_load_idx %arg13[%add3A_307, %broadcast_in_dim3A_147] : memref<3136x8xf32, #tpu.memory_space<vmem>>[vector<16xi32>, vector<16xi32>], vector<16xf32>,
        %mul3A_310 = arith.mulf %gather3A_308, %gather3A_308 : vector<16xf32>
        %mul3A_311 = arith.mulf %gather3A_309, %gather3A_309 : vector<16xf32>
        %add3A_312 = arith.addf %mul3A_310, %mul3A_311 : vector<16xf32>
        %bitcast3A_313 = vector.bitcast %add3A_312 : vector<16xf32> to vector<16xi32>
        %shift_right_logical3A_314 = arith.constant 1 : i32
        %shift_right_logical3A_315 = vector.broadcast %shift_right_logical3A_314 : i32 to vector<16xi32>
        %shift_right_logical3A_316 = arith.shrui %bitcast3A_313, %shift_right_logical3A_315 : vector<16xi32>
        %add3A_317 = arith.constant 532487669 : i32
        %add3A_318 = vector.broadcast %add3A_317 : i32 to vector<16xi32>
        %add3A_319 = arith.addi %shift_right_logical3A_316, %add3A_318 : vector<16xi32>
        %bitcast3A_320 = vector.bitcast %add3A_319 : vector<16xi32> to vector<16xf32>
        %div3A_321 = arith.divf %add3A_312, %bitcast3A_320 : vector<16xf32>
        %add3A_322 = arith.addf %bitcast3A_320, %div3A_321 : vector<16xf32>
        %mul3A_323 = arith.constant 5.000000e-01 : f32
        %mul3A_324 = vector.broadcast %mul3A_323 : f32 to vector<16xf32>
        %mul3A_325 = arith.mulf %mul3A_324, %add3A_322 : vector<16xf32>
        %div3A_326 = arith.divf %add3A_312, %mul3A_325 : vector<16xf32>
        %add3A_327 = arith.addf %mul3A_325, %div3A_326 : vector<16xf32>
        %mul3A_328 = arith.constant 5.000000e-01 : f32
        %mul3A_329 = vector.broadcast %mul3A_328 : f32 to vector<16xf32>
        %mul3A_330 = arith.mulf %mul3A_329, %add3A_327 : vector<16xf32>
        %add3A_331 = arith.addf %add3A_301, %mul3A_330 : vector<16xf32>
        %scan3A_332 = arith.constant 6 : i32
        %scan3A_333 = arith.addi %scan3A_156, %scan3A_332 : i32
        %mul3A_334 = arith.constant 16 : i32
        %mul3A_335 = arith.muli %scan3A_333, %mul3A_334 : i32
        %add3A_336 = vector.broadcast %mul3A_335 : i32 to vector<16xi32>
        %add3A_337 = arith.addi %add3A_336, %iota3A : vector<16xi32>
        %gather3A_338 = tpu.vector_load_idx %arg13[%add3A_337, %broadcast_in_dim3A_145] : memref<3136x8xf32, #tpu.memory_space<vmem>>[vector<16xi32>, vector<16xi32>], vector<16xf32>,
        %gather3A_339 = tpu.vector_load_idx %arg13[%add3A_337, %broadcast_in_dim3A_147] : memref<3136x8xf32, #tpu.memory_space<vmem>>[vector<16xi32>, vector<16xi32>], vector<16xf32>,
        %mul3A_340 = arith.mulf %gather3A_338, %gather3A_338 : vector<16xf32>
        %mul3A_341 = arith.mulf %gather3A_339, %gather3A_339 : vector<16xf32>
        %add3A_342 = arith.addf %mul3A_340, %mul3A_341 : vector<16xf32>
        %bitcast3A_343 = vector.bitcast %add3A_342 : vector<16xf32> to vector<16xi32>
        %shift_right_logical3A_344 = arith.constant 1 : i32
        %shift_right_logical3A_345 = vector.broadcast %shift_right_logical3A_344 : i32 to vector<16xi32>
        %shift_right_logical3A_346 = arith.shrui %bitcast3A_343, %shift_right_logical3A_345 : vector<16xi32>
        %add3A_347 = arith.constant 532487669 : i32
        %add3A_348 = vector.broadcast %add3A_347 : i32 to vector<16xi32>
        %add3A_349 = arith.addi %shift_right_logical3A_346, %add3A_348 : vector<16xi32>
        %bitcast3A_350 = vector.bitcast %add3A_349 : vector<16xi32> to vector<16xf32>
        %div3A_351 = arith.divf %add3A_342, %bitcast3A_350 : vector<16xf32>
        %add3A_352 = arith.addf %bitcast3A_350, %div3A_351 : vector<16xf32>
        %mul3A_353 = arith.constant 5.000000e-01 : f32
        %mul3A_354 = vector.broadcast %mul3A_353 : f32 to vector<16xf32>
        %mul3A_355 = arith.mulf %mul3A_354, %add3A_352 : vector<16xf32>
        %div3A_356 = arith.divf %add3A_342, %mul3A_355 : vector<16xf32>
        %add3A_357 = arith.addf %mul3A_355, %div3A_356 : vector<16xf32>
        %mul3A_358 = arith.constant 5.000000e-01 : f32
        %mul3A_359 = vector.broadcast %mul3A_358 : f32 to vector<16xf32>
        %mul3A_360 = arith.mulf %mul3A_359, %add3A_357 : vector<16xf32>
        %add3A_361 = arith.addf %add3A_331, %mul3A_360 : vector<16xf32>
        scf.yield %add3A_361 : vector<16xf32>
      }
      %scan3A_153 = arith.constant 196 : i32
      %swap3A_154 = arith.constant 0 : index
      %swap3A_155 = tpu.vector_load %arg16[%swap3A_154] {strides = array<i32>} : memref<16xf32, #tpu.memory_space<vmem>>, vector<16xf32>,
      tpu.vector_store %arg16[%swap3A_154], %scan3A_152 {strides = array<i32>} : memref<16xf32, #tpu.memory_space<vmem>>, vector<16xf32>,
    } else {
    }
    %eq3A = arith.constant 31 : i32
    %eq3A_23 = arith.cmpi eq, %add3A, %eq3A : i32
    %convert_element_type3A_24 = arith.extui %eq3A_23 : i1 to i32
    %cond3A_25 = arith.constant 0 : i32
    %cond3A_26 = arith.cmpi ne, %convert_element_type3A_24, %cond3A_25 : i32
    scf.if %cond3A_26 {
      %add3A_33 = arith.constant 0 : i32
      %add3A_34 = arith.addi %add3A_33, %mul3A_2 : i32
      %dma_start3A = arith.constant 0 : i32
      %dma_start3A_35 = tpu.memref_slice %arg9[%dma_start3A] : memref<9408xf32, #tpu.memory_space<vmem>> -> memref<2784xf32, #tpu.memory_space<vmem>>
      %dma_start3A_36 = tpu.memref_slice %arg2[%add3A_34] : memref<300000xf32, #tpu.memory_space<hbm>> -> memref<2784xf32, #tpu.memory_space<hbm>>
      %dma_start3A_37 = arith.constant 0 : i32
      %dma_start3A_38 = tpu.memref_slice %arg9[%dma_start3A_37] : memref<9408xf32, #tpu.memory_space<vmem>> -> memref<2784xf32, #tpu.memory_space<vmem>>
      %dma_start3A_39 = tpu.memref_slice %arg2[%add3A_34] : memref<300000xf32, #tpu.memory_space<hbm>> -> memref<2784xf32, #tpu.memory_space<hbm>>
      tpu.enqueue_dma source(%dma_start3A_39 : memref<2784xf32, #tpu.memory_space<hbm>>) target(%dma_start3A_38 : memref<2784xf32, #tpu.memory_space<vmem>>) target_semaphore(%arg17 : memref<!tpu.dma_semaphore, #tpu.memory_space<semaphore_mem>>)
      %add3A_40 = arith.constant 0 : i32
      %add3A_41 = arith.addi %add3A_40, %mul3A_2 : i32
      %dma_start3A_42 = arith.constant 0 : i32
      %dma_start3A_43 = tpu.memref_slice %arg10[%dma_start3A_42] : memref<9408xf32, #tpu.memory_space<vmem>> -> memref<2784xf32, #tpu.memory_space<vmem>>
      %dma_start3A_44 = tpu.memref_slice %arg3[%add3A_41] : memref<300000xf32, #tpu.memory_space<hbm>> -> memref<2784xf32, #tpu.memory_space<hbm>>
      %dma_start3A_45 = arith.constant 0 : i32
      %dma_start3A_46 = tpu.memref_slice %arg10[%dma_start3A_45] : memref<9408xf32, #tpu.memory_space<vmem>> -> memref<2784xf32, #tpu.memory_space<vmem>>
      %dma_start3A_47 = tpu.memref_slice %arg3[%add3A_41] : memref<300000xf32, #tpu.memory_space<hbm>> -> memref<2784xf32, #tpu.memory_space<hbm>>
      tpu.enqueue_dma source(%dma_start3A_47 : memref<2784xf32, #tpu.memory_space<hbm>>) target(%dma_start3A_46 : memref<2784xf32, #tpu.memory_space<vmem>>) target_semaphore(%arg17 : memref<!tpu.dma_semaphore, #tpu.memory_space<semaphore_mem>>)
      %add3A_48 = arith.constant 100000 : i32
      %add3A_49 = arith.addi %add3A_48, %mul3A_2 : i32
      %dma_start3A_50 = arith.constant 3136 : i32
      %dma_start3A_51 = tpu.memref_slice %arg9[%dma_start3A_50] : memref<9408xf32, #tpu.memory_space<vmem>> -> memref<2784xf32, #tpu.memory_space<vmem>>
      %dma_start3A_52 = tpu.memref_slice %arg2[%add3A_49] : memref<300000xf32, #tpu.memory_space<hbm>> -> memref<2784xf32, #tpu.memory_space<hbm>>
      %dma_start3A_53 = arith.constant 3136 : i32
      %dma_start3A_54 = tpu.memref_slice %arg9[%dma_start3A_53] : memref<9408xf32, #tpu.memory_space<vmem>> -> memref<2784xf32, #tpu.memory_space<vmem>>
      %dma_start3A_55 = tpu.memref_slice %arg2[%add3A_49] : memref<300000xf32, #tpu.memory_space<hbm>> -> memref<2784xf32, #tpu.memory_space<hbm>>
      tpu.enqueue_dma source(%dma_start3A_55 : memref<2784xf32, #tpu.memory_space<hbm>>) target(%dma_start3A_54 : memref<2784xf32, #tpu.memory_space<vmem>>) target_semaphore(%arg17 : memref<!tpu.dma_semaphore, #tpu.memory_space<semaphore_mem>>)
      %add3A_56 = arith.constant 100000 : i32
      %add3A_57 = arith.addi %add3A_56, %mul3A_2 : i32
      %dma_start3A_58 = arith.constant 3136 : i32
      %dma_start3A_59 = tpu.memref_slice %arg10[%dma_start3A_58] : memref<9408xf32, #tpu.memory_space<vmem>> -> memref<2784xf32, #tpu.memory_space<vmem>>
      %dma_start3A_60 = tpu.memref_slice %arg3[%add3A_57] : memref<300000xf32, #tpu.memory_space<hbm>> -> memref<2784xf32, #tpu.memory_space<hbm>>
      %dma_start3A_61 = arith.constant 3136 : i32
      %dma_start3A_62 = tpu.memref_slice %arg10[%dma_start3A_61] : memref<9408xf32, #tpu.memory_space<vmem>> -> memref<2784xf32, #tpu.memory_space<vmem>>
      %dma_start3A_63 = tpu.memref_slice %arg3[%add3A_57] : memref<300000xf32, #tpu.memory_space<hbm>> -> memref<2784xf32, #tpu.memory_space<hbm>>
      tpu.enqueue_dma source(%dma_start3A_63 : memref<2784xf32, #tpu.memory_space<hbm>>) target(%dma_start3A_62 : memref<2784xf32, #tpu.memory_space<vmem>>) target_semaphore(%arg17 : memref<!tpu.dma_semaphore, #tpu.memory_space<semaphore_mem>>)
      %add3A_64 = arith.constant 200000 : i32
      %add3A_65 = arith.addi %add3A_64, %mul3A_2 : i32
      %dma_start3A_66 = arith.constant 6272 : i32
      %dma_start3A_67 = tpu.memref_slice %arg9[%dma_start3A_66] : memref<9408xf32, #tpu.memory_space<vmem>> -> memref<2784xf32, #tpu.memory_space<vmem>>
      %dma_start3A_68 = tpu.memref_slice %arg2[%add3A_65] : memref<300000xf32, #tpu.memory_space<hbm>> -> memref<2784xf32, #tpu.memory_space<hbm>>
      %dma_start3A_69 = arith.constant 6272 : i32
      %dma_start3A_70 = tpu.memref_slice %arg9[%dma_start3A_69] : memref<9408xf32, #tpu.memory_space<vmem>> -> memref<2784xf32, #tpu.memory_space<vmem>>
      %dma_start3A_71 = tpu.memref_slice %arg2[%add3A_65] : memref<300000xf32, #tpu.memory_space<hbm>> -> memref<2784xf32, #tpu.memory_space<hbm>>
      tpu.enqueue_dma source(%dma_start3A_71 : memref<2784xf32, #tpu.memory_space<hbm>>) target(%dma_start3A_70 : memref<2784xf32, #tpu.memory_space<vmem>>) target_semaphore(%arg17 : memref<!tpu.dma_semaphore, #tpu.memory_space<semaphore_mem>>)
      %add3A_72 = arith.constant 200000 : i32
      %add3A_73 = arith.addi %add3A_72, %mul3A_2 : i32
      %dma_start3A_74 = arith.constant 6272 : i32
      %dma_start3A_75 = tpu.memref_slice %arg10[%dma_start3A_74] : memref<9408xf32, #tpu.memory_space<vmem>> -> memref<2784xf32, #tpu.memory_space<vmem>>
      %dma_start3A_76 = tpu.memref_slice %arg3[%add3A_73] : memref<300000xf32, #tpu.memory_space<hbm>> -> memref<2784xf32, #tpu.memory_space<hbm>>
      %dma_start3A_77 = arith.constant 6272 : i32
      %dma_start3A_78 = tpu.memref_slice %arg10[%dma_start3A_77] : memref<9408xf32, #tpu.memory_space<vmem>> -> memref<2784xf32, #tpu.memory_space<vmem>>
      %dma_start3A_79 = tpu.memref_slice %arg3[%add3A_73] : memref<300000xf32, #tpu.memory_space<hbm>> -> memref<2784xf32, #tpu.memory_space<hbm>>
      tpu.enqueue_dma source(%dma_start3A_79 : memref<2784xf32, #tpu.memory_space<hbm>>) target(%dma_start3A_78 : memref<2784xf32, #tpu.memory_space<vmem>>) target_semaphore(%arg17 : memref<!tpu.dma_semaphore, #tpu.memory_space<semaphore_mem>>)
      %dma_start3A_80 = arith.constant 0 : i32
      %dma_start3A_81 = tpu.memref_slice %arg11[%dma_start3A_80] : memref<3136xi32, #tpu.memory_space<vmem>> -> memref<2784xi32, #tpu.memory_space<vmem>>
      %dma_start3A_82 = tpu.memref_slice %arg4[%mul3A_2] : memref<100000xi32, #tpu.memory_space<hbm>> -> memref<2784xi32, #tpu.memory_space<hbm>>
      %dma_start3A_83 = arith.constant 0 : i32
      %dma_start3A_84 = tpu.memref_slice %arg11[%dma_start3A_83] : memref<3136xi32, #tpu.memory_space<vmem>> -> memref<2784xi32, #tpu.memory_space<vmem>>
      %dma_start3A_85 = tpu.memref_slice %arg4[%mul3A_2] : memref<100000xi32, #tpu.memory_space<hbm>> -> memref<2784xi32, #tpu.memory_space<hbm>>
      tpu.enqueue_dma source(%dma_start3A_85 : memref<2784xi32, #tpu.memory_space<hbm>>) target(%dma_start3A_84 : memref<2784xi32, #tpu.memory_space<vmem>>) target_semaphore(%arg17 : memref<!tpu.dma_semaphore, #tpu.memory_space<semaphore_mem>>)
      %scan3A = arith.constant 0 : i32
      %scan3A_86 = arith.constant 0 : i32
      %scan3A_87 = arith.constant 196 : i32
      %scan3A_88 = arith.addi %scan3A_86, %scan3A_87 : i32
      %scan3A_89 = arith.constant 4 : i32
      scf.for %scan3A_156 = %scan3A_86 to %scan3A_88 step %scan3A_89  : i32 {
        %mul3A_157 = arith.constant 16 : i32
        %mul3A_158 = arith.muli %scan3A_156, %mul3A_157 : i32
        %add3A_159 = arith.addi %mul3A_2, %mul3A_158 : i32
        %add3A_160 = vector.broadcast %add3A_159 : i32 to vector<16xi32>
        %add3A_161 = arith.addi %add3A_160, %iota3A : vector<16xi32>
        %min3A = arith.constant 99999 : i32
        %min3A_162 = vector.broadcast %min3A : i32 to vector<16xi32>
        %min3A_163 = arith.minsi %add3A_161, %min3A_162 : vector<16xi32>
        %mul3A_164 = arith.constant 16 : i32
        %mul3A_165 = vector.broadcast %mul3A_164 : i32 to vector<16xi32>
        %mul3A_166 = arith.muli %min3A_163, %mul3A_165 : vector<16xi32>
        %swap3A_167 = arith.index_cast %mul3A_158 : i32 to index
        %swap3A_168 = tpu.vector_load %arg12[%swap3A_167] {strides = array<i32>} : memref<3136xi32, #tpu.memory_space<vmem>>, vector<16xi32>,
        tpu.vector_store %arg12[%swap3A_167], %mul3A_166 {strides = array<i32>} : memref<3136xi32, #tpu.memory_space<vmem>>, vector<16xi32>,
        %scan3A_169 = arith.constant 1 : i32
        %scan3A_170 = arith.addi %scan3A_156, %scan3A_169 : i32
        %mul3A_171 = arith.constant 16 : i32
        %mul3A_172 = arith.muli %scan3A_170, %mul3A_171 : i32
        %add3A_173 = arith.addi %mul3A_2, %mul3A_172 : i32
        %add3A_174 = vector.broadcast %add3A_173 : i32 to vector<16xi32>
        %add3A_175 = arith.addi %add3A_174, %iota3A : vector<16xi32>
        %min3A_176 = arith.constant 99999 : i32
        %min3A_177 = vector.broadcast %min3A_176 : i32 to vector<16xi32>
        %min3A_178 = arith.minsi %add3A_175, %min3A_177 : vector<16xi32>
        %mul3A_179 = arith.constant 16 : i32
        %mul3A_180 = vector.broadcast %mul3A_179 : i32 to vector<16xi32>
        %mul3A_181 = arith.muli %min3A_178, %mul3A_180 : vector<16xi32>
        %swap3A_182 = arith.index_cast %mul3A_172 : i32 to index
        %swap3A_183 = tpu.vector_load %arg12[%swap3A_182] {strides = array<i32>} : memref<3136xi32, #tpu.memory_space<vmem>>, vector<16xi32>,
        tpu.vector_store %arg12[%swap3A_182], %mul3A_181 {strides = array<i32>} : memref<3136xi32, #tpu.memory_space<vmem>>, vector<16xi32>,
        %scan3A_184 = arith.constant 2 : i32
        %scan3A_185 = arith.addi %scan3A_156, %scan3A_184 : i32
        %mul3A_186 = arith.constant 16 : i32
        %mul3A_187 = arith.muli %scan3A_185, %mul3A_186 : i32
        %add3A_188 = arith.addi %mul3A_2, %mul3A_187 : i32
        %add3A_189 = vector.broadcast %add3A_188 : i32 to vector<16xi32>
        %add3A_190 = arith.addi %add3A_189, %iota3A : vector<16xi32>
        %min3A_191 = arith.constant 99999 : i32
        %min3A_192 = vector.broadcast %min3A_191 : i32 to vector<16xi32>
        %min3A_193 = arith.minsi %add3A_190, %min3A_192 : vector<16xi32>
        %mul3A_194 = arith.constant 16 : i32
        %mul3A_195 = vector.broadcast %mul3A_194 : i32 to vector<16xi32>
        %mul3A_196 = arith.muli %min3A_193, %mul3A_195 : vector<16xi32>
        %swap3A_197 = arith.index_cast %mul3A_187 : i32 to index
        %swap3A_198 = tpu.vector_load %arg12[%swap3A_197] {strides = array<i32>} : memref<3136xi32, #tpu.memory_space<vmem>>, vector<16xi32>,
        tpu.vector_store %arg12[%swap3A_197], %mul3A_196 {strides = array<i32>} : memref<3136xi32, #tpu.memory_space<vmem>>, vector<16xi32>,
        %scan3A_199 = arith.constant 3 : i32
        %scan3A_200 = arith.addi %scan3A_156, %scan3A_199 : i32
        %mul3A_201 = arith.constant 16 : i32
        %mul3A_202 = arith.muli %scan3A_200, %mul3A_201 : i32
        %add3A_203 = arith.addi %mul3A_2, %mul3A_202 : i32
        %add3A_204 = vector.broadcast %add3A_203 : i32 to vector<16xi32>
        %add3A_205 = arith.addi %add3A_204, %iota3A : vector<16xi32>
        %min3A_206 = arith.constant 99999 : i32
        %min3A_207 = vector.broadcast %min3A_206 : i32 to vector<16xi32>
        %min3A_208 = arith.minsi %add3A_205, %min3A_207 : vector<16xi32>
        %mul3A_209 = arith.constant 16 : i32
        %mul3A_210 = vector.broadcast %mul3A_209 : i32 to vector<16xi32>
        %mul3A_211 = arith.muli %min3A_208, %mul3A_210 : vector<16xi32>
        %swap3A_212 = arith.index_cast %mul3A_202 : i32 to index
        %swap3A_213 = tpu.vector_load %arg12[%swap3A_212] {strides = array<i32>} : memref<3136xi32, #tpu.memory_space<vmem>>, vector<16xi32>,
        tpu.vector_store %arg12[%swap3A_212], %mul3A_211 {strides = array<i32>} : memref<3136xi32, #tpu.memory_space<vmem>>, vector<16xi32>,
      }
      %scan3A_90 = arith.constant 196 : i32
      %dma_start3A_91 = arith.constant 0 : i32
      %dma_start3A_92 = arith.constant 0 : i32
      %dma_start3A_93 = tpu.memref_slice %arg5[%dma_start3A_91, %dma_start3A_92] : memref<1600000x8xf32, #tpu.memory_space<hbm>> -> memref<1600000x8xf32, #tpu.memory_space<hbm>>
      tpu.enqueue_indirect_dma source(%dma_start3A_93 : memref<1600000x8xf32, #tpu.memory_space<hbm>>) target(%arg13 : memref<3136x8xf32, #tpu.memory_space<vmem>>) offsets(%arg12 : memref<3136xi32, #tpu.memory_space<vmem>>) semaphore(%arg18 : memref<!tpu.dma_semaphore, #tpu.memory_space<semaphore_mem>>)
      %dma_wait3A = arith.constant 0 : i32
      %dma_wait3A_94 = tpu.memref_slice %arg9[%dma_wait3A] : memref<9408xf32, #tpu.memory_space<vmem>> -> memref<2784xf32, #tpu.memory_space<vmem>>
      %dma_wait3A_95 = tpu.memref_slice %arg2[%add3A_34] : memref<300000xf32, #tpu.memory_space<hbm>> -> memref<2784xf32, #tpu.memory_space<hbm>>
      %dma_wait3A_96 = arith.constant 0 : i32
      %dma_wait3A_97 = tpu.memref_slice %arg9[%dma_wait3A_96] : memref<9408xf32, #tpu.memory_space<vmem>> -> memref<2784xf32, #tpu.memory_space<vmem>>
      %dma_wait3A_98 = tpu.memref_slice %arg2[%add3A_34] : memref<300000xf32, #tpu.memory_space<hbm>> -> memref<2784xf32, #tpu.memory_space<hbm>>
      tpu.wait_dma2 semaphore(%arg17 : memref<!tpu.dma_semaphore, #tpu.memory_space<semaphore_mem>>) src(%dma_wait3A_98 : memref<2784xf32, #tpu.memory_space<hbm>>) dst(%dma_wait3A_97 : memref<2784xf32, #tpu.memory_space<vmem>>)
      %dma_wait3A_99 = arith.constant 0 : i32
      %dma_wait3A_100 = tpu.memref_slice %arg10[%dma_wait3A_99] : memref<9408xf32, #tpu.memory_space<vmem>> -> memref<2784xf32, #tpu.memory_space<vmem>>
      %dma_wait3A_101 = tpu.memref_slice %arg3[%add3A_41] : memref<300000xf32, #tpu.memory_space<hbm>> -> memref<2784xf32, #tpu.memory_space<hbm>>
      %dma_wait3A_102 = arith.constant 0 : i32
      %dma_wait3A_103 = tpu.memref_slice %arg10[%dma_wait3A_102] : memref<9408xf32, #tpu.memory_space<vmem>> -> memref<2784xf32, #tpu.memory_space<vmem>>
      %dma_wait3A_104 = tpu.memref_slice %arg3[%add3A_41] : memref<300000xf32, #tpu.memory_space<hbm>> -> memref<2784xf32, #tpu.memory_space<hbm>>
      tpu.wait_dma2 semaphore(%arg17 : memref<!tpu.dma_semaphore, #tpu.memory_space<semaphore_mem>>) src(%dma_wait3A_104 : memref<2784xf32, #tpu.memory_space<hbm>>) dst(%dma_wait3A_103 : memref<2784xf32, #tpu.memory_space<vmem>>)
      %dma_wait3A_105 = arith.constant 3136 : i32
      %dma_wait3A_106 = tpu.memref_slice %arg9[%dma_wait3A_105] : memref<9408xf32, #tpu.memory_space<vmem>> -> memref<2784xf32, #tpu.memory_space<vmem>>
      %dma_wait3A_107 = tpu.memref_slice %arg2[%add3A_49] : memref<300000xf32, #tpu.memory_space<hbm>> -> memref<2784xf32, #tpu.memory_space<hbm>>
      %dma_wait3A_108 = arith.constant 3136 : i32
      %dma_wait3A_109 = tpu.memref_slice %arg9[%dma_wait3A_108] : memref<9408xf32, #tpu.memory_space<vmem>> -> memref<2784xf32, #tpu.memory_space<vmem>>
      %dma_wait3A_110 = tpu.memref_slice %arg2[%add3A_49] : memref<300000xf32, #tpu.memory_space<hbm>> -> memref<2784xf32, #tpu.memory_space<hbm>>
      tpu.wait_dma2 semaphore(%arg17 : memref<!tpu.dma_semaphore, #tpu.memory_space<semaphore_mem>>) src(%dma_wait3A_110 : memref<2784xf32, #tpu.memory_space<hbm>>) dst(%dma_wait3A_109 : memref<2784xf32, #tpu.memory_space<vmem>>)
      %dma_wait3A_111 = arith.constant 3136 : i32
      %dma_wait3A_112 = tpu.memref_slice %arg10[%dma_wait3A_111] : memref<9408xf32, #tpu.memory_space<vmem>> -> memref<2784xf32, #tpu.memory_space<vmem>>
      %dma_wait3A_113 = tpu.memref_slice %arg3[%add3A_57] : memref<300000xf32, #tpu.memory_space<hbm>> -> memref<2784xf32, #tpu.memory_space<hbm>>
      %dma_wait3A_114 = arith.constant 3136 : i32
      %dma_wait3A_115 = tpu.memref_slice %arg10[%dma_wait3A_114] : memref<9408xf32, #tpu.memory_space<vmem>> -> memref<2784xf32, #tpu.memory_space<vmem>>
      %dma_wait3A_116 = tpu.memref_slice %arg3[%add3A_57] : memref<300000xf32, #tpu.memory_space<hbm>> -> memref<2784xf32, #tpu.memory_space<hbm>>
      tpu.wait_dma2 semaphore(%arg17 : memref<!tpu.dma_semaphore, #tpu.memory_space<semaphore_mem>>) src(%dma_wait3A_116 : memref<2784xf32, #tpu.memory_space<hbm>>) dst(%dma_wait3A_115 : memref<2784xf32, #tpu.memory_space<vmem>>)
      %dma_wait3A_117 = arith.constant 6272 : i32
      %dma_wait3A_118 = tpu.memref_slice %arg9[%dma_wait3A_117] : memref<9408xf32, #tpu.memory_space<vmem>> -> memref<2784xf32, #tpu.memory_space<vmem>>
      %dma_wait3A_119 = tpu.memref_slice %arg2[%add3A_65] : memref<300000xf32, #tpu.memory_space<hbm>> -> memref<2784xf32, #tpu.memory_space<hbm>>
      %dma_wait3A_120 = arith.constant 6272 : i32
      %dma_wait3A_121 = tpu.memref_slice %arg9[%dma_wait3A_120] : memref<9408xf32, #tpu.memory_space<vmem>> -> memref<2784xf32, #tpu.memory_space<vmem>>
      %dma_wait3A_122 = tpu.memref_slice %arg2[%add3A_65] : memref<300000xf32, #tpu.memory_space<hbm>> -> memref<2784xf32, #tpu.memory_space<hbm>>
      tpu.wait_dma2 semaphore(%arg17 : memref<!tpu.dma_semaphore, #tpu.memory_space<semaphore_mem>>) src(%dma_wait3A_122 : memref<2784xf32, #tpu.memory_space<hbm>>) dst(%dma_wait3A_121 : memref<2784xf32, #tpu.memory_space<vmem>>)
      %dma_wait3A_123 = arith.constant 6272 : i32
      %dma_wait3A_124 = tpu.memref_slice %arg10[%dma_wait3A_123] : memref<9408xf32, #tpu.memory_space<vmem>> -> memref<2784xf32, #tpu.memory_space<vmem>>
      %dma_wait3A_125 = tpu.memref_slice %arg3[%add3A_73] : memref<300000xf32, #tpu.memory_space<hbm>> -> memref<2784xf32, #tpu.memory_space<hbm>>
      %dma_wait3A_126 = arith.constant 6272 : i32
      %dma_wait3A_127 = tpu.memref_slice %arg10[%dma_wait3A_126] : memref<9408xf32, #tpu.memory_space<vmem>> -> memref<2784xf32, #tpu.memory_space<vmem>>
      %dma_wait3A_128 = tpu.memref_slice %arg3[%add3A_73] : memref<300000xf32, #tpu.memory_space<hbm>> -> memref<2784xf32, #tpu.memory_space<hbm>>
      tpu.wait_dma2 semaphore(%arg17 : memref<!tpu.dma_semaphore, #tpu.memory_space<semaphore_mem>>) src(%dma_wait3A_128 : memref<2784xf32, #tpu.memory_space<hbm>>) dst(%dma_wait3A_127 : memref<2784xf32, #tpu.memory_space<vmem>>)
      %dma_wait3A_129 = arith.constant 0 : i32
      %dma_wait3A_130 = tpu.memref_slice %arg11[%dma_wait3A_129] : memref<3136xi32, #tpu.memory_space<vmem>> -> memref<2784xi32, #tpu.memory_space<vmem>>
      %dma_wait3A_131 = tpu.memref_slice %arg4[%mul3A_2] : memref<100000xi32, #tpu.memory_space<hbm>> -> memref<2784xi32, #tpu.memory_space<hbm>>
      %dma_wait3A_132 = arith.constant 0 : i32
      %dma_wait3A_133 = tpu.memref_slice %arg11[%dma_wait3A_132] : memref<3136xi32, #tpu.memory_space<vmem>> -> memref<2784xi32, #tpu.memory_space<vmem>>
      %dma_wait3A_134 = tpu.memref_slice %arg4[%mul3A_2] : memref<100000xi32, #tpu.memory_space<hbm>> -> memref<2784xi32, #tpu.memory_space<hbm>>
      tpu.wait_dma2 semaphore(%arg17 : memref<!tpu.dma_semaphore, #tpu.memory_space<semaphore_mem>>) src(%dma_wait3A_134 : memref<2784xi32, #tpu.memory_space<hbm>>) dst(%dma_wait3A_133 : memref<2784xi32, #tpu.memory_space<vmem>>)
      %scan3A_135 = arith.constant 0 : i32
      %scan3A_136 = arith.constant 0 : i32
      %scan3A_137 = arith.constant 174 : i32
      %scan3A_138 = arith.addi %scan3A_136, %scan3A_137 : i32
      %scan3A_139 = arith.constant 6 : i32
      scf.for %scan3A_156 = %scan3A_136 to %scan3A_138 step %scan3A_139  : i32 {
        %mul3A_157 = arith.constant 16 : i32
        %mul3A_158 = arith.muli %scan3A_156, %mul3A_157 : i32
        %get3A = arith.index_cast %mul3A_158 : i32 to index
        %get3A_159 = tpu.vector_load %arg11[%get3A] {strides = array<i32>} : memref<3136xi32, #tpu.memory_space<vmem>>, vector<16xi32>,
        tpu.vector_store_idx %arg15[%get3A_159], %broadcast_in_dim3A_20 {add = true} : memref<64xf32, #tpu.memory_space<vmem>>[vector<16xi32>], vector<16xf32>,
        %broadcast_in_dim3A_160 = arith.constant 0.000000e+00 : f32
        %broadcast_in_dim3A_161 = vector.broadcast %broadcast_in_dim3A_160 : f32 to vector<16xf32>
        %add3A_162 = arith.constant 0 : i32
        %add3A_163 = arith.addi %add3A_162, %mul3A_158 : i32
        %get3A_164 = arith.index_cast %add3A_163 : i32 to index
        %get3A_165 = tpu.vector_load %arg9[%get3A_164] {strides = array<i32>} : memref<9408xf32, #tpu.memory_space<vmem>>, vector<16xf32>,
        %add3A_166 = arith.constant 0 : i32
        %add3A_167 = arith.addi %add3A_166, %mul3A_158 : i32
        %get3A_168 = arith.index_cast %add3A_167 : i32 to index
        %get3A_169 = tpu.vector_load %arg10[%get3A_168] {strides = array<i32>} : memref<9408xf32, #tpu.memory_space<vmem>>, vector<16xf32>,
        %sub3A = arith.subf %get3A_165, %get3A_169 : vector<16xf32>
        %abs3A = math.absf %sub3A : vector<16xf32>
        %add3A_170 = arith.addf %broadcast_in_dim3A_161, %abs3A : vector<16xf32>
        %add3A_171 = arith.constant 3136 : i32
        %add3A_172 = arith.addi %add3A_171, %mul3A_158 : i32
        %get3A_173 = arith.index_cast %add3A_172 : i32 to index
        %get3A_174 = tpu.vector_load %arg9[%get3A_173] {strides = array<i32>} : memref<9408xf32, #tpu.memory_space<vmem>>, vector<16xf32>,
        %add3A_175 = arith.constant 3136 : i32
        %add3A_176 = arith.addi %add3A_175, %mul3A_158 : i32
        %get3A_177 = arith.index_cast %add3A_176 : i32 to index
        %get3A_178 = tpu.vector_load %arg10[%get3A_177] {strides = array<i32>} : memref<9408xf32, #tpu.memory_space<vmem>>, vector<16xf32>,
        %sub3A_179 = arith.subf %get3A_174, %get3A_178 : vector<16xf32>
        %abs3A_180 = math.absf %sub3A_179 : vector<16xf32>
        %add3A_181 = arith.addf %add3A_170, %abs3A_180 : vector<16xf32>
        %add3A_182 = arith.constant 6272 : i32
        %add3A_183 = arith.addi %add3A_182, %mul3A_158 : i32
        %get3A_184 = arith.index_cast %add3A_183 : i32 to index
        %get3A_185 = tpu.vector_load %arg9[%get3A_184] {strides = array<i32>} : memref<9408xf32, #tpu.memory_space<vmem>>, vector<16xf32>,
        %add3A_186 = arith.constant 6272 : i32
        %add3A_187 = arith.addi %add3A_186, %mul3A_158 : i32
        %get3A_188 = arith.index_cast %add3A_187 : i32 to index
        %get3A_189 = tpu.vector_load %arg10[%get3A_188] {strides = array<i32>} : memref<9408xf32, #tpu.memory_space<vmem>>, vector<16xf32>,
        %sub3A_190 = arith.subf %get3A_185, %get3A_189 : vector<16xf32>
        %abs3A_191 = math.absf %sub3A_190 : vector<16xf32>
        %add3A_192 = arith.addf %add3A_181, %abs3A_191 : vector<16xf32>
        tpu.vector_store_idx %arg14[%get3A_159], %add3A_192 {add = true} : memref<64xf32, #tpu.memory_space<vmem>>[vector<16xi32>], vector<16xf32>,
        %scan3A_193 = arith.constant 1 : i32
        %scan3A_194 = arith.addi %scan3A_156, %scan3A_193 : i32
        %mul3A_195 = arith.constant 16 : i32
        %mul3A_196 = arith.muli %scan3A_194, %mul3A_195 : i32
        %get3A_197 = arith.index_cast %mul3A_196 : i32 to index
        %get3A_198 = tpu.vector_load %arg11[%get3A_197] {strides = array<i32>} : memref<3136xi32, #tpu.memory_space<vmem>>, vector<16xi32>,
        tpu.vector_store_idx %arg15[%get3A_198], %broadcast_in_dim3A_20 {add = true} : memref<64xf32, #tpu.memory_space<vmem>>[vector<16xi32>], vector<16xf32>,
        %broadcast_in_dim3A_199 = arith.constant 0.000000e+00 : f32
        %broadcast_in_dim3A_200 = vector.broadcast %broadcast_in_dim3A_199 : f32 to vector<16xf32>
        %add3A_201 = arith.constant 0 : i32
        %add3A_202 = arith.addi %add3A_201, %mul3A_196 : i32
        %get3A_203 = arith.index_cast %add3A_202 : i32 to index
        %get3A_204 = tpu.vector_load %arg9[%get3A_203] {strides = array<i32>} : memref<9408xf32, #tpu.memory_space<vmem>>, vector<16xf32>,
        %add3A_205 = arith.constant 0 : i32
        %add3A_206 = arith.addi %add3A_205, %mul3A_196 : i32
        %get3A_207 = arith.index_cast %add3A_206 : i32 to index
        %get3A_208 = tpu.vector_load %arg10[%get3A_207] {strides = array<i32>} : memref<9408xf32, #tpu.memory_space<vmem>>, vector<16xf32>,
        %sub3A_209 = arith.subf %get3A_204, %get3A_208 : vector<16xf32>
        %abs3A_210 = math.absf %sub3A_209 : vector<16xf32>
        %add3A_211 = arith.addf %broadcast_in_dim3A_200, %abs3A_210 : vector<16xf32>
        %add3A_212 = arith.constant 3136 : i32
        %add3A_213 = arith.addi %add3A_212, %mul3A_196 : i32
        %get3A_214 = arith.index_cast %add3A_213 : i32 to index
        %get3A_215 = tpu.vector_load %arg9[%get3A_214] {strides = array<i32>} : memref<9408xf32, #tpu.memory_space<vmem>>, vector<16xf32>,
        %add3A_216 = arith.constant 3136 : i32
        %add3A_217 = arith.addi %add3A_216, %mul3A_196 : i32
        %get3A_218 = arith.index_cast %add3A_217 : i32 to index
        %get3A_219 = tpu.vector_load %arg10[%get3A_218] {strides = array<i32>} : memref<9408xf32, #tpu.memory_space<vmem>>, vector<16xf32>,
        %sub3A_220 = arith.subf %get3A_215, %get3A_219 : vector<16xf32>
        %abs3A_221 = math.absf %sub3A_220 : vector<16xf32>
        %add3A_222 = arith.addf %add3A_211, %abs3A_221 : vector<16xf32>
        %add3A_223 = arith.constant 6272 : i32
        %add3A_224 = arith.addi %add3A_223, %mul3A_196 : i32
        %get3A_225 = arith.index_cast %add3A_224 : i32 to index
        %get3A_226 = tpu.vector_load %arg9[%get3A_225] {strides = array<i32>} : memref<9408xf32, #tpu.memory_space<vmem>>, vector<16xf32>,
        %add3A_227 = arith.constant 6272 : i32
        %add3A_228 = arith.addi %add3A_227, %mul3A_196 : i32
        %get3A_229 = arith.index_cast %add3A_228 : i32 to index
        %get3A_230 = tpu.vector_load %arg10[%get3A_229] {strides = array<i32>} : memref<9408xf32, #tpu.memory_space<vmem>>, vector<16xf32>,
        %sub3A_231 = arith.subf %get3A_226, %get3A_230 : vector<16xf32>
        %abs3A_232 = math.absf %sub3A_231 : vector<16xf32>
        %add3A_233 = arith.addf %add3A_222, %abs3A_232 : vector<16xf32>
        tpu.vector_store_idx %arg14[%get3A_198], %add3A_233 {add = true} : memref<64xf32, #tpu.memory_space<vmem>>[vector<16xi32>], vector<16xf32>,
        %scan3A_234 = arith.constant 2 : i32
        %scan3A_235 = arith.addi %scan3A_156, %scan3A_234 : i32
        %mul3A_236 = arith.constant 16 : i32
        %mul3A_237 = arith.muli %scan3A_235, %mul3A_236 : i32
        %get3A_238 = arith.index_cast %mul3A_237 : i32 to index
        %get3A_239 = tpu.vector_load %arg11[%get3A_238] {strides = array<i32>} : memref<3136xi32, #tpu.memory_space<vmem>>, vector<16xi32>,
        tpu.vector_store_idx %arg15[%get3A_239], %broadcast_in_dim3A_20 {add = true} : memref<64xf32, #tpu.memory_space<vmem>>[vector<16xi32>], vector<16xf32>,
        %broadcast_in_dim3A_240 = arith.constant 0.000000e+00 : f32
        %broadcast_in_dim3A_241 = vector.broadcast %broadcast_in_dim3A_240 : f32 to vector<16xf32>
        %add3A_242 = arith.constant 0 : i32
        %add3A_243 = arith.addi %add3A_242, %mul3A_237 : i32
        %get3A_244 = arith.index_cast %add3A_243 : i32 to index
        %get3A_245 = tpu.vector_load %arg9[%get3A_244] {strides = array<i32>} : memref<9408xf32, #tpu.memory_space<vmem>>, vector<16xf32>,
        %add3A_246 = arith.constant 0 : i32
        %add3A_247 = arith.addi %add3A_246, %mul3A_237 : i32
        %get3A_248 = arith.index_cast %add3A_247 : i32 to index
        %get3A_249 = tpu.vector_load %arg10[%get3A_248] {strides = array<i32>} : memref<9408xf32, #tpu.memory_space<vmem>>, vector<16xf32>,
        %sub3A_250 = arith.subf %get3A_245, %get3A_249 : vector<16xf32>
        %abs3A_251 = math.absf %sub3A_250 : vector<16xf32>
        %add3A_252 = arith.addf %broadcast_in_dim3A_241, %abs3A_251 : vector<16xf32>
        %add3A_253 = arith.constant 3136 : i32
        %add3A_254 = arith.addi %add3A_253, %mul3A_237 : i32
        %get3A_255 = arith.index_cast %add3A_254 : i32 to index
        %get3A_256 = tpu.vector_load %arg9[%get3A_255] {strides = array<i32>} : memref<9408xf32, #tpu.memory_space<vmem>>, vector<16xf32>,
        %add3A_257 = arith.constant 3136 : i32
        %add3A_258 = arith.addi %add3A_257, %mul3A_237 : i32
        %get3A_259 = arith.index_cast %add3A_258 : i32 to index
        %get3A_260 = tpu.vector_load %arg10[%get3A_259] {strides = array<i32>} : memref<9408xf32, #tpu.memory_space<vmem>>, vector<16xf32>,
        %sub3A_261 = arith.subf %get3A_256, %get3A_260 : vector<16xf32>
        %abs3A_262 = math.absf %sub3A_261 : vector<16xf32>
        %add3A_263 = arith.addf %add3A_252, %abs3A_262 : vector<16xf32>
        %add3A_264 = arith.constant 6272 : i32
        %add3A_265 = arith.addi %add3A_264, %mul3A_237 : i32
        %get3A_266 = arith.index_cast %add3A_265 : i32 to index
        %get3A_267 = tpu.vector_load %arg9[%get3A_266] {strides = array<i32>} : memref<9408xf32, #tpu.memory_space<vmem>>, vector<16xf32>,
        %add3A_268 = arith.constant 6272 : i32
        %add3A_269 = arith.addi %add3A_268, %mul3A_237 : i32
        %get3A_270 = arith.index_cast %add3A_269 : i32 to index
        %get3A_271 = tpu.vector_load %arg10[%get3A_270] {strides = array<i32>} : memref<9408xf32, #tpu.memory_space<vmem>>, vector<16xf32>,
        %sub3A_272 = arith.subf %get3A_267, %get3A_271 : vector<16xf32>
        %abs3A_273 = math.absf %sub3A_272 : vector<16xf32>
        %add3A_274 = arith.addf %add3A_263, %abs3A_273 : vector<16xf32>
        tpu.vector_store_idx %arg14[%get3A_239], %add3A_274 {add = true} : memref<64xf32, #tpu.memory_space<vmem>>[vector<16xi32>], vector<16xf32>,
        %scan3A_275 = arith.constant 3 : i32
        %scan3A_276 = arith.addi %scan3A_156, %scan3A_275 : i32
        %mul3A_277 = arith.constant 16 : i32
        %mul3A_278 = arith.muli %scan3A_276, %mul3A_277 : i32
        %get3A_279 = arith.index_cast %mul3A_278 : i32 to index
        %get3A_280 = tpu.vector_load %arg11[%get3A_279] {strides = array<i32>} : memref<3136xi32, #tpu.memory_space<vmem>>, vector<16xi32>,
        tpu.vector_store_idx %arg15[%get3A_280], %broadcast_in_dim3A_20 {add = true} : memref<64xf32, #tpu.memory_space<vmem>>[vector<16xi32>], vector<16xf32>,
        %broadcast_in_dim3A_281 = arith.constant 0.000000e+00 : f32
        %broadcast_in_dim3A_282 = vector.broadcast %broadcast_in_dim3A_281 : f32 to vector<16xf32>
        %add3A_283 = arith.constant 0 : i32
        %add3A_284 = arith.addi %add3A_283, %mul3A_278 : i32
        %get3A_285 = arith.index_cast %add3A_284 : i32 to index
        %get3A_286 = tpu.vector_load %arg9[%get3A_285] {strides = array<i32>} : memref<9408xf32, #tpu.memory_space<vmem>>, vector<16xf32>,
        %add3A_287 = arith.constant 0 : i32
        %add3A_288 = arith.addi %add3A_287, %mul3A_278 : i32
        %get3A_289 = arith.index_cast %add3A_288 : i32 to index
        %get3A_290 = tpu.vector_load %arg10[%get3A_289] {strides = array<i32>} : memref<9408xf32, #tpu.memory_space<vmem>>, vector<16xf32>,
        %sub3A_291 = arith.subf %get3A_286, %get3A_290 : vector<16xf32>
        %abs3A_292 = math.absf %sub3A_291 : vector<16xf32>
        %add3A_293 = arith.addf %broadcast_in_dim3A_282, %abs3A_292 : vector<16xf32>
        %add3A_294 = arith.constant 3136 : i32
        %add3A_295 = arith.addi %add3A_294, %mul3A_278 : i32
        %get3A_296 = arith.index_cast %add3A_295 : i32 to index
        %get3A_297 = tpu.vector_load %arg9[%get3A_296] {strides = array<i32>} : memref<9408xf32, #tpu.memory_space<vmem>>, vector<16xf32>,
        %add3A_298 = arith.constant 3136 : i32
        %add3A_299 = arith.addi %add3A_298, %mul3A_278 : i32
        %get3A_300 = arith.index_cast %add3A_299 : i32 to index
        %get3A_301 = tpu.vector_load %arg10[%get3A_300] {strides = array<i32>} : memref<9408xf32, #tpu.memory_space<vmem>>, vector<16xf32>,
        %sub3A_302 = arith.subf %get3A_297, %get3A_301 : vector<16xf32>
        %abs3A_303 = math.absf %sub3A_302 : vector<16xf32>
        %add3A_304 = arith.addf %add3A_293, %abs3A_303 : vector<16xf32>
        %add3A_305 = arith.constant 6272 : i32
        %add3A_306 = arith.addi %add3A_305, %mul3A_278 : i32
        %get3A_307 = arith.index_cast %add3A_306 : i32 to index
        %get3A_308 = tpu.vector_load %arg9[%get3A_307] {strides = array<i32>} : memref<9408xf32, #tpu.memory_space<vmem>>, vector<16xf32>,
        %add3A_309 = arith.constant 6272 : i32
        %add3A_310 = arith.addi %add3A_309, %mul3A_278 : i32
        %get3A_311 = arith.index_cast %add3A_310 : i32 to index
        %get3A_312 = tpu.vector_load %arg10[%get3A_311] {strides = array<i32>} : memref<9408xf32, #tpu.memory_space<vmem>>, vector<16xf32>,
        %sub3A_313 = arith.subf %get3A_308, %get3A_312 : vector<16xf32>
        %abs3A_314 = math.absf %sub3A_313 : vector<16xf32>
        %add3A_315 = arith.addf %add3A_304, %abs3A_314 : vector<16xf32>
        tpu.vector_store_idx %arg14[%get3A_280], %add3A_315 {add = true} : memref<64xf32, #tpu.memory_space<vmem>>[vector<16xi32>], vector<16xf32>,
        %scan3A_316 = arith.constant 4 : i32
        %scan3A_317 = arith.addi %scan3A_156, %scan3A_316 : i32
        %mul3A_318 = arith.constant 16 : i32
        %mul3A_319 = arith.muli %scan3A_317, %mul3A_318 : i32
        %get3A_320 = arith.index_cast %mul3A_319 : i32 to index
        %get3A_321 = tpu.vector_load %arg11[%get3A_320] {strides = array<i32>} : memref<3136xi32, #tpu.memory_space<vmem>>, vector<16xi32>,
        tpu.vector_store_idx %arg15[%get3A_321], %broadcast_in_dim3A_20 {add = true} : memref<64xf32, #tpu.memory_space<vmem>>[vector<16xi32>], vector<16xf32>,
        %broadcast_in_dim3A_322 = arith.constant 0.000000e+00 : f32
        %broadcast_in_dim3A_323 = vector.broadcast %broadcast_in_dim3A_322 : f32 to vector<16xf32>
        %add3A_324 = arith.constant 0 : i32
        %add3A_325 = arith.addi %add3A_324, %mul3A_319 : i32
        %get3A_326 = arith.index_cast %add3A_325 : i32 to index
        %get3A_327 = tpu.vector_load %arg9[%get3A_326] {strides = array<i32>} : memref<9408xf32, #tpu.memory_space<vmem>>, vector<16xf32>,
        %add3A_328 = arith.constant 0 : i32
        %add3A_329 = arith.addi %add3A_328, %mul3A_319 : i32
        %get3A_330 = arith.index_cast %add3A_329 : i32 to index
        %get3A_331 = tpu.vector_load %arg10[%get3A_330] {strides = array<i32>} : memref<9408xf32, #tpu.memory_space<vmem>>, vector<16xf32>,
        %sub3A_332 = arith.subf %get3A_327, %get3A_331 : vector<16xf32>
        %abs3A_333 = math.absf %sub3A_332 : vector<16xf32>
        %add3A_334 = arith.addf %broadcast_in_dim3A_323, %abs3A_333 : vector<16xf32>
        %add3A_335 = arith.constant 3136 : i32
        %add3A_336 = arith.addi %add3A_335, %mul3A_319 : i32
        %get3A_337 = arith.index_cast %add3A_336 : i32 to index
        %get3A_338 = tpu.vector_load %arg9[%get3A_337] {strides = array<i32>} : memref<9408xf32, #tpu.memory_space<vmem>>, vector<16xf32>,
        %add3A_339 = arith.constant 3136 : i32
        %add3A_340 = arith.addi %add3A_339, %mul3A_319 : i32
        %get3A_341 = arith.index_cast %add3A_340 : i32 to index
        %get3A_342 = tpu.vector_load %arg10[%get3A_341] {strides = array<i32>} : memref<9408xf32, #tpu.memory_space<vmem>>, vector<16xf32>,
        %sub3A_343 = arith.subf %get3A_338, %get3A_342 : vector<16xf32>
        %abs3A_344 = math.absf %sub3A_343 : vector<16xf32>
        %add3A_345 = arith.addf %add3A_334, %abs3A_344 : vector<16xf32>
        %add3A_346 = arith.constant 6272 : i32
        %add3A_347 = arith.addi %add3A_346, %mul3A_319 : i32
        %get3A_348 = arith.index_cast %add3A_347 : i32 to index
        %get3A_349 = tpu.vector_load %arg9[%get3A_348] {strides = array<i32>} : memref<9408xf32, #tpu.memory_space<vmem>>, vector<16xf32>,
        %add3A_350 = arith.constant 6272 : i32
        %add3A_351 = arith.addi %add3A_350, %mul3A_319 : i32
        %get3A_352 = arith.index_cast %add3A_351 : i32 to index
        %get3A_353 = tpu.vector_load %arg10[%get3A_352] {strides = array<i32>} : memref<9408xf32, #tpu.memory_space<vmem>>, vector<16xf32>,
        %sub3A_354 = arith.subf %get3A_349, %get3A_353 : vector<16xf32>
        %abs3A_355 = math.absf %sub3A_354 : vector<16xf32>
        %add3A_356 = arith.addf %add3A_345, %abs3A_355 : vector<16xf32>
        tpu.vector_store_idx %arg14[%get3A_321], %add3A_356 {add = true} : memref<64xf32, #tpu.memory_space<vmem>>[vector<16xi32>], vector<16xf32>,
        %scan3A_357 = arith.constant 5 : i32
        %scan3A_358 = arith.addi %scan3A_156, %scan3A_357 : i32
        %mul3A_359 = arith.constant 16 : i32
        %mul3A_360 = arith.muli %scan3A_358, %mul3A_359 : i32
        %get3A_361 = arith.index_cast %mul3A_360 : i32 to index
        %get3A_362 = tpu.vector_load %arg11[%get3A_361] {strides = array<i32>} : memref<3136xi32, #tpu.memory_space<vmem>>, vector<16xi32>,
        tpu.vector_store_idx %arg15[%get3A_362], %broadcast_in_dim3A_20 {add = true} : memref<64xf32, #tpu.memory_space<vmem>>[vector<16xi32>], vector<16xf32>,
        %broadcast_in_dim3A_363 = arith.constant 0.000000e+00 : f32
        %broadcast_in_dim3A_364 = vector.broadcast %broadcast_in_dim3A_363 : f32 to vector<16xf32>
        %add3A_365 = arith.constant 0 : i32
        %add3A_366 = arith.addi %add3A_365, %mul3A_360 : i32
        %get3A_367 = arith.index_cast %add3A_366 : i32 to index
        %get3A_368 = tpu.vector_load %arg9[%get3A_367] {strides = array<i32>} : memref<9408xf32, #tpu.memory_space<vmem>>, vector<16xf32>,
        %add3A_369 = arith.constant 0 : i32
        %add3A_370 = arith.addi %add3A_369, %mul3A_360 : i32
        %get3A_371 = arith.index_cast %add3A_370 : i32 to index
        %get3A_372 = tpu.vector_load %arg10[%get3A_371] {strides = array<i32>} : memref<9408xf32, #tpu.memory_space<vmem>>, vector<16xf32>,
        %sub3A_373 = arith.subf %get3A_368, %get3A_372 : vector<16xf32>
        %abs3A_374 = math.absf %sub3A_373 : vector<16xf32>
        %add3A_375 = arith.addf %broadcast_in_dim3A_364, %abs3A_374 : vector<16xf32>
        %add3A_376 = arith.constant 3136 : i32
        %add3A_377 = arith.addi %add3A_376, %mul3A_360 : i32
        %get3A_378 = arith.index_cast %add3A_377 : i32 to index
        %get3A_379 = tpu.vector_load %arg9[%get3A_378] {strides = array<i32>} : memref<9408xf32, #tpu.memory_space<vmem>>, vector<16xf32>,
        %add3A_380 = arith.constant 3136 : i32
        %add3A_381 = arith.addi %add3A_380, %mul3A_360 : i32
        %get3A_382 = arith.index_cast %add3A_381 : i32 to index
        %get3A_383 = tpu.vector_load %arg10[%get3A_382] {strides = array<i32>} : memref<9408xf32, #tpu.memory_space<vmem>>, vector<16xf32>,
        %sub3A_384 = arith.subf %get3A_379, %get3A_383 : vector<16xf32>
        %abs3A_385 = math.absf %sub3A_384 : vector<16xf32>
        %add3A_386 = arith.addf %add3A_375, %abs3A_385 : vector<16xf32>
        %add3A_387 = arith.constant 6272 : i32
        %add3A_388 = arith.addi %add3A_387, %mul3A_360 : i32
        %get3A_389 = arith.index_cast %add3A_388 : i32 to index
        %get3A_390 = tpu.vector_load %arg9[%get3A_389] {strides = array<i32>} : memref<9408xf32, #tpu.memory_space<vmem>>, vector<16xf32>,
        %add3A_391 = arith.constant 6272 : i32
        %add3A_392 = arith.addi %add3A_391, %mul3A_360 : i32
        %get3A_393 = arith.index_cast %add3A_392 : i32 to index
        %get3A_394 = tpu.vector_load %arg10[%get3A_393] {strides = array<i32>} : memref<9408xf32, #tpu.memory_space<vmem>>, vector<16xf32>,
        %sub3A_395 = arith.subf %get3A_390, %get3A_394 : vector<16xf32>
        %abs3A_396 = math.absf %sub3A_395 : vector<16xf32>
        %add3A_397 = arith.addf %add3A_386, %abs3A_396 : vector<16xf32>
        tpu.vector_store_idx %arg14[%get3A_362], %add3A_397 {add = true} : memref<64xf32, #tpu.memory_space<vmem>>[vector<16xi32>], vector<16xf32>,
      }
      %scan3A_140 = arith.constant 174 : i32
      %dma_wait3A_141 = arith.constant 0 : i32
      %dma_wait3A_142 = arith.constant 0 : i32
      %dma_wait3A_143 = tpu.memref_slice %arg5[%dma_wait3A_141, %dma_wait3A_142] : memref<1600000x8xf32, #tpu.memory_space<hbm>> -> memref<1600000x8xf32, #tpu.memory_space<hbm>>
      tpu.wait_indirect_dma semaphore(%arg18 : memref<!tpu.dma_semaphore, #tpu.memory_space<semaphore_mem>>) src(%dma_wait3A_143 : memref<1600000x8xf32, #tpu.memory_space<hbm>>) dst(%arg13 : memref<3136x8xf32, #tpu.memory_space<vmem>>)
      %broadcast_in_dim3A_144 = arith.constant 3 : i32
      %broadcast_in_dim3A_145 = vector.broadcast %broadcast_in_dim3A_144 : i32 to vector<16xi32>
      %broadcast_in_dim3A_146 = arith.constant 4 : i32
      %broadcast_in_dim3A_147 = vector.broadcast %broadcast_in_dim3A_146 : i32 to vector<16xi32>
      %scan3A_148 = arith.constant 0 : i32
      %scan3A_149 = arith.constant 174 : i32
      %scan3A_150 = arith.addi %scan3A_148, %scan3A_149 : i32
      %scan3A_151 = arith.constant 6 : i32
      %scan3A_152 = scf.for %scan3A_156 = %scan3A_148 to %scan3A_150 step %scan3A_151 iter_args(%scan3A_157 = %broadcast_in_dim3A_3) -> (vector<16xf32>)  : i32 {
        %mul3A_158 = arith.constant 16 : i32
        %mul3A_159 = arith.muli %scan3A_156, %mul3A_158 : i32
        %add3A_160 = vector.broadcast %mul3A_159 : i32 to vector<16xi32>
        %add3A_161 = arith.addi %add3A_160, %iota3A : vector<16xi32>
        %gather3A = tpu.vector_load_idx %arg13[%add3A_161, %broadcast_in_dim3A_145] : memref<3136x8xf32, #tpu.memory_space<vmem>>[vector<16xi32>, vector<16xi32>], vector<16xf32>,
        %gather3A_162 = tpu.vector_load_idx %arg13[%add3A_161, %broadcast_in_dim3A_147] : memref<3136x8xf32, #tpu.memory_space<vmem>>[vector<16xi32>, vector<16xi32>], vector<16xf32>,
        %mul3A_163 = arith.mulf %gather3A, %gather3A : vector<16xf32>
        %mul3A_164 = arith.mulf %gather3A_162, %gather3A_162 : vector<16xf32>
        %add3A_165 = arith.addf %mul3A_163, %mul3A_164 : vector<16xf32>
        %bitcast3A = vector.bitcast %add3A_165 : vector<16xf32> to vector<16xi32>
        %shift_right_logical3A = arith.constant 1 : i32
        %shift_right_logical3A_166 = vector.broadcast %shift_right_logical3A : i32 to vector<16xi32>
        %shift_right_logical3A_167 = arith.shrui %bitcast3A, %shift_right_logical3A_166 : vector<16xi32>
        %add3A_168 = arith.constant 532487669 : i32
        %add3A_169 = vector.broadcast %add3A_168 : i32 to vector<16xi32>
        %add3A_170 = arith.addi %shift_right_logical3A_167, %add3A_169 : vector<16xi32>
        %bitcast3A_171 = vector.bitcast %add3A_170 : vector<16xi32> to vector<16xf32>
        %div3A = arith.divf %add3A_165, %bitcast3A_171 : vector<16xf32>
        %add3A_172 = arith.addf %bitcast3A_171, %div3A : vector<16xf32>
        %mul3A_173 = arith.constant 5.000000e-01 : f32
        %mul3A_174 = vector.broadcast %mul3A_173 : f32 to vector<16xf32>
        %mul3A_175 = arith.mulf %mul3A_174, %add3A_172 : vector<16xf32>
        %div3A_176 = arith.divf %add3A_165, %mul3A_175 : vector<16xf32>
        %add3A_177 = arith.addf %mul3A_175, %div3A_176 : vector<16xf32>
        %mul3A_178 = arith.constant 5.000000e-01 : f32
        %mul3A_179 = vector.broadcast %mul3A_178 : f32 to vector<16xf32>
        %mul3A_180 = arith.mulf %mul3A_179, %add3A_177 : vector<16xf32>
        %add3A_181 = arith.addf %scan3A_157, %mul3A_180 : vector<16xf32>
        %scan3A_182 = arith.constant 1 : i32
        %scan3A_183 = arith.addi %scan3A_156, %scan3A_182 : i32
        %mul3A_184 = arith.constant 16 : i32
        %mul3A_185 = arith.muli %scan3A_183, %mul3A_184 : i32
        %add3A_186 = vector.broadcast %mul3A_185 : i32 to vector<16xi32>
        %add3A_187 = arith.addi %add3A_186, %iota3A : vector<16xi32>
        %gather3A_188 = tpu.vector_load_idx %arg13[%add3A_187, %broadcast_in_dim3A_145] : memref<3136x8xf32, #tpu.memory_space<vmem>>[vector<16xi32>, vector<16xi32>], vector<16xf32>,
        %gather3A_189 = tpu.vector_load_idx %arg13[%add3A_187, %broadcast_in_dim3A_147] : memref<3136x8xf32, #tpu.memory_space<vmem>>[vector<16xi32>, vector<16xi32>], vector<16xf32>,
        %mul3A_190 = arith.mulf %gather3A_188, %gather3A_188 : vector<16xf32>
        %mul3A_191 = arith.mulf %gather3A_189, %gather3A_189 : vector<16xf32>
        %add3A_192 = arith.addf %mul3A_190, %mul3A_191 : vector<16xf32>
        %bitcast3A_193 = vector.bitcast %add3A_192 : vector<16xf32> to vector<16xi32>
        %shift_right_logical3A_194 = arith.constant 1 : i32
        %shift_right_logical3A_195 = vector.broadcast %shift_right_logical3A_194 : i32 to vector<16xi32>
        %shift_right_logical3A_196 = arith.shrui %bitcast3A_193, %shift_right_logical3A_195 : vector<16xi32>
        %add3A_197 = arith.constant 532487669 : i32
        %add3A_198 = vector.broadcast %add3A_197 : i32 to vector<16xi32>
        %add3A_199 = arith.addi %shift_right_logical3A_196, %add3A_198 : vector<16xi32>
        %bitcast3A_200 = vector.bitcast %add3A_199 : vector<16xi32> to vector<16xf32>
        %div3A_201 = arith.divf %add3A_192, %bitcast3A_200 : vector<16xf32>
        %add3A_202 = arith.addf %bitcast3A_200, %div3A_201 : vector<16xf32>
        %mul3A_203 = arith.constant 5.000000e-01 : f32
        %mul3A_204 = vector.broadcast %mul3A_203 : f32 to vector<16xf32>
        %mul3A_205 = arith.mulf %mul3A_204, %add3A_202 : vector<16xf32>
        %div3A_206 = arith.divf %add3A_192, %mul3A_205 : vector<16xf32>
        %add3A_207 = arith.addf %mul3A_205, %div3A_206 : vector<16xf32>
        %mul3A_208 = arith.constant 5.000000e-01 : f32
        %mul3A_209 = vector.broadcast %mul3A_208 : f32 to vector<16xf32>
        %mul3A_210 = arith.mulf %mul3A_209, %add3A_207 : vector<16xf32>
        %add3A_211 = arith.addf %add3A_181, %mul3A_210 : vector<16xf32>
        %scan3A_212 = arith.constant 2 : i32
        %scan3A_213 = arith.addi %scan3A_156, %scan3A_212 : i32
        %mul3A_214 = arith.constant 16 : i32
        %mul3A_215 = arith.muli %scan3A_213, %mul3A_214 : i32
        %add3A_216 = vector.broadcast %mul3A_215 : i32 to vector<16xi32>
        %add3A_217 = arith.addi %add3A_216, %iota3A : vector<16xi32>
        %gather3A_218 = tpu.vector_load_idx %arg13[%add3A_217, %broadcast_in_dim3A_145] : memref<3136x8xf32, #tpu.memory_space<vmem>>[vector<16xi32>, vector<16xi32>], vector<16xf32>,
        %gather3A_219 = tpu.vector_load_idx %arg13[%add3A_217, %broadcast_in_dim3A_147] : memref<3136x8xf32, #tpu.memory_space<vmem>>[vector<16xi32>, vector<16xi32>], vector<16xf32>,
        %mul3A_220 = arith.mulf %gather3A_218, %gather3A_218 : vector<16xf32>
        %mul3A_221 = arith.mulf %gather3A_219, %gather3A_219 : vector<16xf32>
        %add3A_222 = arith.addf %mul3A_220, %mul3A_221 : vector<16xf32>
        %bitcast3A_223 = vector.bitcast %add3A_222 : vector<16xf32> to vector<16xi32>
        %shift_right_logical3A_224 = arith.constant 1 : i32
        %shift_right_logical3A_225 = vector.broadcast %shift_right_logical3A_224 : i32 to vector<16xi32>
        %shift_right_logical3A_226 = arith.shrui %bitcast3A_223, %shift_right_logical3A_225 : vector<16xi32>
        %add3A_227 = arith.constant 532487669 : i32
        %add3A_228 = vector.broadcast %add3A_227 : i32 to vector<16xi32>
        %add3A_229 = arith.addi %shift_right_logical3A_226, %add3A_228 : vector<16xi32>
        %bitcast3A_230 = vector.bitcast %add3A_229 : vector<16xi32> to vector<16xf32>
        %div3A_231 = arith.divf %add3A_222, %bitcast3A_230 : vector<16xf32>
        %add3A_232 = arith.addf %bitcast3A_230, %div3A_231 : vector<16xf32>
        %mul3A_233 = arith.constant 5.000000e-01 : f32
        %mul3A_234 = vector.broadcast %mul3A_233 : f32 to vector<16xf32>
        %mul3A_235 = arith.mulf %mul3A_234, %add3A_232 : vector<16xf32>
        %div3A_236 = arith.divf %add3A_222, %mul3A_235 : vector<16xf32>
        %add3A_237 = arith.addf %mul3A_235, %div3A_236 : vector<16xf32>
        %mul3A_238 = arith.constant 5.000000e-01 : f32
        %mul3A_239 = vector.broadcast %mul3A_238 : f32 to vector<16xf32>
        %mul3A_240 = arith.mulf %mul3A_239, %add3A_237 : vector<16xf32>
        %add3A_241 = arith.addf %add3A_211, %mul3A_240 : vector<16xf32>
        %scan3A_242 = arith.constant 3 : i32
        %scan3A_243 = arith.addi %scan3A_156, %scan3A_242 : i32
        %mul3A_244 = arith.constant 16 : i32
        %mul3A_245 = arith.muli %scan3A_243, %mul3A_244 : i32
        %add3A_246 = vector.broadcast %mul3A_245 : i32 to vector<16xi32>
        %add3A_247 = arith.addi %add3A_246, %iota3A : vector<16xi32>
        %gather3A_248 = tpu.vector_load_idx %arg13[%add3A_247, %broadcast_in_dim3A_145] : memref<3136x8xf32, #tpu.memory_space<vmem>>[vector<16xi32>, vector<16xi32>], vector<16xf32>,
        %gather3A_249 = tpu.vector_load_idx %arg13[%add3A_247, %broadcast_in_dim3A_147] : memref<3136x8xf32, #tpu.memory_space<vmem>>[vector<16xi32>, vector<16xi32>], vector<16xf32>,
        %mul3A_250 = arith.mulf %gather3A_248, %gather3A_248 : vector<16xf32>
        %mul3A_251 = arith.mulf %gather3A_249, %gather3A_249 : vector<16xf32>
        %add3A_252 = arith.addf %mul3A_250, %mul3A_251 : vector<16xf32>
        %bitcast3A_253 = vector.bitcast %add3A_252 : vector<16xf32> to vector<16xi32>
        %shift_right_logical3A_254 = arith.constant 1 : i32
        %shift_right_logical3A_255 = vector.broadcast %shift_right_logical3A_254 : i32 to vector<16xi32>
        %shift_right_logical3A_256 = arith.shrui %bitcast3A_253, %shift_right_logical3A_255 : vector<16xi32>
        %add3A_257 = arith.constant 532487669 : i32
        %add3A_258 = vector.broadcast %add3A_257 : i32 to vector<16xi32>
        %add3A_259 = arith.addi %shift_right_logical3A_256, %add3A_258 : vector<16xi32>
        %bitcast3A_260 = vector.bitcast %add3A_259 : vector<16xi32> to vector<16xf32>
        %div3A_261 = arith.divf %add3A_252, %bitcast3A_260 : vector<16xf32>
        %add3A_262 = arith.addf %bitcast3A_260, %div3A_261 : vector<16xf32>
        %mul3A_263 = arith.constant 5.000000e-01 : f32
        %mul3A_264 = vector.broadcast %mul3A_263 : f32 to vector<16xf32>
        %mul3A_265 = arith.mulf %mul3A_264, %add3A_262 : vector<16xf32>
        %div3A_266 = arith.divf %add3A_252, %mul3A_265 : vector<16xf32>
        %add3A_267 = arith.addf %mul3A_265, %div3A_266 : vector<16xf32>
        %mul3A_268 = arith.constant 5.000000e-01 : f32
        %mul3A_269 = vector.broadcast %mul3A_268 : f32 to vector<16xf32>
        %mul3A_270 = arith.mulf %mul3A_269, %add3A_267 : vector<16xf32>
        %add3A_271 = arith.addf %add3A_241, %mul3A_270 : vector<16xf32>
        %scan3A_272 = arith.constant 4 : i32
        %scan3A_273 = arith.addi %scan3A_156, %scan3A_272 : i32
        %mul3A_274 = arith.constant 16 : i32
        %mul3A_275 = arith.muli %scan3A_273, %mul3A_274 : i32
        %add3A_276 = vector.broadcast %mul3A_275 : i32 to vector<16xi32>
        %add3A_277 = arith.addi %add3A_276, %iota3A : vector<16xi32>
        %gather3A_278 = tpu.vector_load_idx %arg13[%add3A_277, %broadcast_in_dim3A_145] : memref<3136x8xf32, #tpu.memory_space<vmem>>[vector<16xi32>, vector<16xi32>], vector<16xf32>,
        %gather3A_279 = tpu.vector_load_idx %arg13[%add3A_277, %broadcast_in_dim3A_147] : memref<3136x8xf32, #tpu.memory_space<vmem>>[vector<16xi32>, vector<16xi32>], vector<16xf32>,
        %mul3A_280 = arith.mulf %gather3A_278, %gather3A_278 : vector<16xf32>
        %mul3A_281 = arith.mulf %gather3A_279, %gather3A_279 : vector<16xf32>
        %add3A_282 = arith.addf %mul3A_280, %mul3A_281 : vector<16xf32>
        %bitcast3A_283 = vector.bitcast %add3A_282 : vector<16xf32> to vector<16xi32>
        %shift_right_logical3A_284 = arith.constant 1 : i32
        %shift_right_logical3A_285 = vector.broadcast %shift_right_logical3A_284 : i32 to vector<16xi32>
        %shift_right_logical3A_286 = arith.shrui %bitcast3A_283, %shift_right_logical3A_285 : vector<16xi32>
        %add3A_287 = arith.constant 532487669 : i32
        %add3A_288 = vector.broadcast %add3A_287 : i32 to vector<16xi32>
        %add3A_289 = arith.addi %shift_right_logical3A_286, %add3A_288 : vector<16xi32>
        %bitcast3A_290 = vector.bitcast %add3A_289 : vector<16xi32> to vector<16xf32>
        %div3A_291 = arith.divf %add3A_282, %bitcast3A_290 : vector<16xf32>
        %add3A_292 = arith.addf %bitcast3A_290, %div3A_291 : vector<16xf32>
        %mul3A_293 = arith.constant 5.000000e-01 : f32
        %mul3A_294 = vector.broadcast %mul3A_293 : f32 to vector<16xf32>
        %mul3A_295 = arith.mulf %mul3A_294, %add3A_292 : vector<16xf32>
        %div3A_296 = arith.divf %add3A_282, %mul3A_295 : vector<16xf32>
        %add3A_297 = arith.addf %mul3A_295, %div3A_296 : vector<16xf32>
        %mul3A_298 = arith.constant 5.000000e-01 : f32
        %mul3A_299 = vector.broadcast %mul3A_298 : f32 to vector<16xf32>
        %mul3A_300 = arith.mulf %mul3A_299, %add3A_297 : vector<16xf32>
        %add3A_301 = arith.addf %add3A_271, %mul3A_300 : vector<16xf32>
        %scan3A_302 = arith.constant 5 : i32
        %scan3A_303 = arith.addi %scan3A_156, %scan3A_302 : i32
        %mul3A_304 = arith.constant 16 : i32
        %mul3A_305 = arith.muli %scan3A_303, %mul3A_304 : i32
        %add3A_306 = vector.broadcast %mul3A_305 : i32 to vector<16xi32>
        %add3A_307 = arith.addi %add3A_306, %iota3A : vector<16xi32>
        %gather3A_308 = tpu.vector_load_idx %arg13[%add3A_307, %broadcast_in_dim3A_145] : memref<3136x8xf32, #tpu.memory_space<vmem>>[vector<16xi32>, vector<16xi32>], vector<16xf32>,
        %gather3A_309 = tpu.vector_load_idx %arg13[%add3A_307, %broadcast_in_dim3A_147] : memref<3136x8xf32, #tpu.memory_space<vmem>>[vector<16xi32>, vector<16xi32>], vector<16xf32>,
        %mul3A_310 = arith.mulf %gather3A_308, %gather3A_308 : vector<16xf32>
        %mul3A_311 = arith.mulf %gather3A_309, %gather3A_309 : vector<16xf32>
        %add3A_312 = arith.addf %mul3A_310, %mul3A_311 : vector<16xf32>
        %bitcast3A_313 = vector.bitcast %add3A_312 : vector<16xf32> to vector<16xi32>
        %shift_right_logical3A_314 = arith.constant 1 : i32
        %shift_right_logical3A_315 = vector.broadcast %shift_right_logical3A_314 : i32 to vector<16xi32>
        %shift_right_logical3A_316 = arith.shrui %bitcast3A_313, %shift_right_logical3A_315 : vector<16xi32>
        %add3A_317 = arith.constant 532487669 : i32
        %add3A_318 = vector.broadcast %add3A_317 : i32 to vector<16xi32>
        %add3A_319 = arith.addi %shift_right_logical3A_316, %add3A_318 : vector<16xi32>
        %bitcast3A_320 = vector.bitcast %add3A_319 : vector<16xi32> to vector<16xf32>
        %div3A_321 = arith.divf %add3A_312, %bitcast3A_320 : vector<16xf32>
        %add3A_322 = arith.addf %bitcast3A_320, %div3A_321 : vector<16xf32>
        %mul3A_323 = arith.constant 5.000000e-01 : f32
        %mul3A_324 = vector.broadcast %mul3A_323 : f32 to vector<16xf32>
        %mul3A_325 = arith.mulf %mul3A_324, %add3A_322 : vector<16xf32>
        %div3A_326 = arith.divf %add3A_312, %mul3A_325 : vector<16xf32>
        %add3A_327 = arith.addf %mul3A_325, %div3A_326 : vector<16xf32>
        %mul3A_328 = arith.constant 5.000000e-01 : f32
        %mul3A_329 = vector.broadcast %mul3A_328 : f32 to vector<16xf32>
        %mul3A_330 = arith.mulf %mul3A_329, %add3A_327 : vector<16xf32>
        %add3A_331 = arith.addf %add3A_301, %mul3A_330 : vector<16xf32>
        scf.yield %add3A_331 : vector<16xf32>
      }
      %scan3A_153 = arith.constant 174 : i32
      %swap3A_154 = arith.constant 0 : index
      %swap3A_155 = tpu.vector_load %arg16[%swap3A_154] {strides = array<i32>} : memref<16xf32, #tpu.memory_space<vmem>>, vector<16xf32>,
      tpu.vector_store %arg16[%swap3A_154], %scan3A_152 {strides = array<i32>} : memref<16xf32, #tpu.memory_space<vmem>>, vector<16xf32>,
    } else {
    }
    %mul3A_27 = arith.constant 64 : i32
    %mul3A_28 = arith.muli %add3A, %mul3A_27 : i32
    "tpu.region"() ({
      %run_scoped3A = tpu.sem_alloc : memref<!tpu.dma_semaphore, #tpu.memory_space<semaphore_mem>>
      %dma_start3A = tpu.memref_slice %arg6[%mul3A_28] : memref<2048xf32, #tpu.memory_space<hbm>> -> memref<64xf32, #tpu.memory_space<hbm>>
      %dma_start3A_33 = tpu.memref_slice %arg6[%mul3A_28] : memref<2048xf32, #tpu.memory_space<hbm>> -> memref<64xf32, #tpu.memory_space<hbm>>
      tpu.enqueue_dma source(%arg14 : memref<64xf32, #tpu.memory_space<vmem>>) target(%dma_start3A_33 : memref<64xf32, #tpu.memory_space<hbm>>) target_semaphore(%run_scoped3A : memref<!tpu.dma_semaphore, #tpu.memory_space<semaphore_mem>>)
      %dma_wait3A = tpu.memref_slice %arg6[%mul3A_28] : memref<2048xf32, #tpu.memory_space<hbm>> -> memref<64xf32, #tpu.memory_space<hbm>>
      %dma_wait3A_34 = tpu.memref_slice %arg6[%mul3A_28] : memref<2048xf32, #tpu.memory_space<hbm>> -> memref<64xf32, #tpu.memory_space<hbm>>
      tpu.wait_dma2 semaphore(%run_scoped3A : memref<!tpu.dma_semaphore, #tpu.memory_space<semaphore_mem>>) src(%arg14 : memref<64xf32, #tpu.memory_space<vmem>>) dst(%dma_wait3A_34 : memref<64xf32, #tpu.memory_space<hbm>>)
      tpu.yield
    }) : () -> ()
    %mul3A_29 = arith.constant 64 : i32
    %mul3A_30 = arith.muli %add3A, %mul3A_29 : i32
    "tpu.region"() ({
      %run_scoped3A = tpu.sem_alloc : memref<!tpu.dma_semaphore, #tpu.memory_space<semaphore_mem>>
      %dma_start3A = tpu.memref_slice %arg7[%mul3A_30] : memref<2048xf32, #tpu.memory_space<hbm>> -> memref<64xf32, #tpu.memory_space<hbm>>
      %dma_start3A_33 = tpu.memref_slice %arg7[%mul3A_30] : memref<2048xf32, #tpu.memory_space<hbm>> -> memref<64xf32, #tpu.memory_space<hbm>>
      tpu.enqueue_dma source(%arg15 : memref<64xf32, #tpu.memory_space<vmem>>) target(%dma_start3A_33 : memref<64xf32, #tpu.memory_space<hbm>>) target_semaphore(%run_scoped3A : memref<!tpu.dma_semaphore, #tpu.memory_space<semaphore_mem>>)
      %dma_wait3A = tpu.memref_slice %arg7[%mul3A_30] : memref<2048xf32, #tpu.memory_space<hbm>> -> memref<64xf32, #tpu.memory_space<hbm>>
      %dma_wait3A_34 = tpu.memref_slice %arg7[%mul3A_30] : memref<2048xf32, #tpu.memory_space<hbm>> -> memref<64xf32, #tpu.memory_space<hbm>>
      tpu.wait_dma2 semaphore(%run_scoped3A : memref<!tpu.dma_semaphore, #tpu.memory_space<semaphore_mem>>) src(%arg15 : memref<64xf32, #tpu.memory_space<vmem>>) dst(%dma_wait3A_34 : memref<64xf32, #tpu.memory_space<hbm>>)
      tpu.yield
    }) : () -> ()
    %mul3A_31 = arith.constant 16 : i32
    %mul3A_32 = arith.muli %add3A, %mul3A_31 : i32
    "tpu.region"() ({
      %run_scoped3A = tpu.sem_alloc : memref<!tpu.dma_semaphore, #tpu.memory_space<semaphore_mem>>
      %dma_start3A = tpu.memref_slice %arg8[%mul3A_32] : memref<512xf32, #tpu.memory_space<hbm>> -> memref<16xf32, #tpu.memory_space<hbm>>
      %dma_start3A_33 = tpu.memref_slice %arg8[%mul3A_32] : memref<512xf32, #tpu.memory_space<hbm>> -> memref<16xf32, #tpu.memory_space<hbm>>
      tpu.enqueue_dma source(%arg16 : memref<16xf32, #tpu.memory_space<vmem>>) target(%dma_start3A_33 : memref<16xf32, #tpu.memory_space<hbm>>) target_semaphore(%run_scoped3A : memref<!tpu.dma_semaphore, #tpu.memory_space<semaphore_mem>>)
      %dma_wait3A = tpu.memref_slice %arg8[%mul3A_32] : memref<512xf32, #tpu.memory_space<hbm>> -> memref<16xf32, #tpu.memory_space<hbm>>
      %dma_wait3A_34 = tpu.memref_slice %arg8[%mul3A_32] : memref<512xf32, #tpu.memory_space<hbm>> -> memref<16xf32, #tpu.memory_space<hbm>>
      tpu.wait_dma2 semaphore(%run_scoped3A : memref<!tpu.dma_semaphore, #tpu.memory_space<semaphore_mem>>) src(%arg16 : memref<16xf32, #tpu.memory_space<vmem>>) dst(%dma_wait3A_34 : memref<16xf32, #tpu.memory_space<hbm>>)
      tpu.yield
    }) : () -> ()
    return
  }
}

</mosaic_0001>

<sc_bundles>
// kernel: _sc_all.3.cloned.1.call-start
scs
__scs_entry_jumppad:
0x0: {  	(pc) =	sbr.rel $0x88, $3  }
0x1: {  	(tag) =	ssettag $0x0;
	lr =	simm.s32 $0x1  }
0x2: {  	[smem:$0x3F9D] =	sst lr;
	_ =	strace $0xD0000000  }
0x3: {  	_ = 	snop  }
0x4: {  	_ = 	snop  }
0x5: {  	_ = 	snop  }
0x6: {  	_ = 	snop  }
0x7: {  	_ = 	snop  }
__scs_overlays_trampoline_lowered:
0x8: {  	[smem:$0x3FAC] =	sst s0  }
0x9: {  	[smem:$0x3FAD] =	sst s1  }
0xa: {  	[smem:$0x3FAE] =	sst s2  }
0xb: {  	[smem:$0x3FAF] =	sst s3  }
0xc: {  	[smem:$0x3FB0] =	sst s4  }
0xd: {  	[smem:$0x3FB1] =	sst s5  }
0xe: {  	[smem:$0x3FB2] =	sst s6  }
0xf: {  	[smem:$0x3FB3] =	sst s7  }
0x10: {  	[smem:$0x3FB4] =	sst s8  }
0x11: {  	[smem:$0x3FB5] =	sst s9;
	s0 =	simm.s32 @!p0 $0x0  }
0x12: {  	s1 =	sld [smem:$0x3F9B];
	s0 =	simm.s32 @p0 $0x1  }
0x13: {  	[smem:$0x3FB6] =	sst s0;
	s0 =	simm.s32 @!p1 $0x0  }
0x14: {  	s2 =	sld [smem:$0x3F9A];
	s0 =	simm.s32 @p1 $0x1  }
0x15: {  	[smem:$0x3FB7] =	sst s0;
	s0 =	simm.s32 @!p2 $0x0  }
0x16: {  	s3 =	sld [smem:$0x3FDB];
	s0 =	simm.s32 @p2 $0x1  }
0x17: {  	s4 =	simm.s32 $0x1BF5;
	[smem:$0x3FB9] =	sst s0  }
0x18: {  	s0 =	sld [smem:$0x3F9C];
	_ =	swait.ge [sflag:s4], $0x0  }
0x19: {  	s7 =	sld [smem:$0x3F9D]  }
0x1a: {  	s8 =	sadd.s32 $0xFFFFE003, lr  }
0x1b: {  	s9 =	sadd.s32 $0xFFFFFEF7, lr;
	s5 =	simm.s32 $0xFFFFFFFF;
	p2 =	slt.u32 s8, $0xFFFFF086  }
0x1c: {  	p1 =	slt.u32 s9, $0xF7A;
	s5 =	simm.s32 @!p2 $0x0  }
0x1d: {  	s5 =	simm.s32 @p1 $0x1;
	p0 =	seq.s32 s7, s2  }
0x1e: {  	s7 =	smul.u32 @!p0 $0xF7A, s2;
	p2 =	seq.s32 @!p0 s5, $0x0  }
0x1f: {  	s9 =	smul.u32 $0xF7A, s1;
	s8 =	simm.s32 @!p0 $0x1BF5;
	p2 =	por !p2, p0  }
0x20: {  	[sflag:s8] =	ssyncset.s32 @!p0 $0xFFFFF086;
	s6 =	sadd.s32 @!p0 s3, s7;
	s7 =	simm.s32 @!p0 $0x108  }
0x21: {  	s3 =	sadd.s32 s3, s9;
	s6 =	sadd.s32 @!p0 $0x88, s6;
	s7 =	simm.s32 @p2 $0x1082  }
0x22: {  	[simem:s7], [sflag:s8] =	dma.local @!p0 [hbm:s6], $0xF7A  }
0x23: {  	s9 =	sor.u32 $0xD0000000, s2;
	s6 =	simm.s32 $0x108;
	_ =	swait.ge @!p0 [sflag:s8], $0x0  }
0x24: {  	s3 =	sadd.s32 $0x88, s3;
	s6 =	simm.s32 @!p1 $0x1082;
	[sflag:s4] =	ssyncset.s32 $0xFFFFF086  }
0x25: {  	[simem:s6], [sflag:s4] =	dma.local [hbm:s3], $0xF7A  }
0x26: {  	[smem:$0x3F9D] =	sst s1;
	(tag) =	ssettag s2;
	_ =	strace s9  }
0x27: {  	s1 =	sld [smem:$0x3FAD]  }
0x28: {  	s2 =	sld [smem:$0x3FAE]  }
0x29: {  	s4 =	sld [smem:$0x3FB0]  }
0x2a: {  	p0 =	seq.s32 s5, $0x0;
	s5 =	sld [smem:$0x3FB1]  }
0x2b: {  	s6 =	sld [smem:$0x3FB2]  }
0x2c: {  	s7 =	sld [smem:$0x3FB3]  }
0x2d: {  	s3 =	simm.s32 $0x108;
	s8 =	sld [smem:$0x3FB4]  }
0x2e: {  	s3 =	simm.s32 @!p0 $0x1082;
	s9 =	sld [smem:$0x3FB5]  }
0x2f: {  	lr =	sadd.s32 s0, s3;
	s0 =	sld [smem:$0x3FAC]  }
0x30: {  	s3 =	sld [smem:$0x3FAF]  }
0x31: {  	[smem:$0x3FB8] =	sst s10  }
0x32: {  	s10 =	sld [smem:$0x3FB6];
	_ =	sdelay $0x3  }
0x33: {  	p0 =	seq.s32 s10, $0x1;
	s10 =	sld [smem:$0x3FB8];
	_ =	sdelay $0x3  }
0x34: {  	[smem:$0x3FB8] =	sst s10  }
0x35: {  	s10 =	sld [smem:$0x3FB7];
	_ =	sdelay $0x3  }
0x36: {  	p1 =	seq.s32 s10, $0x1;
	s10 =	sld [smem:$0x3FB8];
	_ =	sdelay $0x3  }
0x37: {  	[smem:$0x3FB8] =	sst s10  }
0x38: {  	s10 =	sld [smem:$0x3FB9]  }
0x39: {  	_ = 	snop;
	(pc) =	sbr.ind lr, $3  }
0x3a: {  	_ = 	snop  }
0x3b: {  	_ = 	snop  }
0x3c: {  	p2 =	seq.s32 s10, $0x1;
	s10 =	sld [smem:$0x3FB8]  }
0x3d: {  	_ =	shalt  }
0x3e: {  	_ =	shalt  }
0x3f: {  	_ =	shalt  }
0x40: {  	_ =	shalt  }
0x41: {  	_ =	shalt  }
0x42: {  	_ =	shalt  }
0x43: {  	_ =	shalt  }
0x44: {  	_ =	shalt  }
0x45: {  	_ =	shalt  }
0x46: {  	_ =	shalt  }
0x47: {  	_ =	shalt  }
0x48: {  	_ =	shalt  }
0x49: {  	_ =	shalt  }
0x4a: {  	_ =	shalt  }
0x4b: {  	_ =	shalt  }
0x4c: {  	_ =	shalt  }
0x4d: {  	_ =	shalt  }
0x4e: {  	_ =	shalt  }
0x4f: {  	_ =	shalt  }
0x50: {  	_ =	shalt  }
0x51: {  	_ =	shalt  }
0x52: {  	_ =	shalt  }
0x53: {  	_ =	shalt  }
0x54: {  	_ =	shalt  }
0x55: {  	_ =	shalt  }
0x56: {  	_ =	shalt  }
0x57: {  	_ =	shalt  }
0x58: {  	_ =	shalt  }
0x59: {  	_ =	shalt  }
0x5a: {  	_ =	shalt  }
0x5b: {  	_ =	shalt  }
0x5c: {  	_ =	shalt  }
0x5d: {  	_ =	shalt  }
0x5e: {  	_ =	shalt  }
0x5f: {  	_ =	shalt  }
0x60: {  	_ =	shalt  }
0x61: {  	_ =	shalt  }
0x62: {  	_ =	shalt  }
0x63: {  	_ =	shalt  }
0x64: {  	_ =	shalt  }
0x65: {  	_ =	shalt  }
0x66: {  	_ =	shalt  }
0x67: {  	_ =	shalt  }
0x68: {  	_ =	shalt  }
0x69: {  	_ =	shalt  }
0x6a: {  	_ =	shalt  }
0x6b: {  	_ =	shalt  }
0x6c: {  	_ =	shalt  }
0x6d: {  	_ =	shalt  }
0x6e: {  	_ =	shalt  }
0x6f: {  	_ =	shalt  }
0x70: {  	_ =	shalt  }
0x71: {  	_ =	shalt  }
0x72: {  	_ =	shalt  }
0x73: {  	_ =	shalt  }
0x74: {  	_ =	shalt  }
0x75: {  	_ =	shalt  }
0x76: {  	_ =	shalt  }
0x77: {  	_ =	shalt  }
0x78: {  	_ =	shalt  }
0x79: {  	_ =	shalt  }
0x7a: {  	_ =	shalt  }
0x7b: {  	_ =	shalt  }
0x7c: {  	_ =	shalt  }
0x7d: {  	_ =	shalt  }
0x7e: {  	_ =	shalt  }
0x7f: {  	_ =	shalt  }
0x80: {  	_ =	shalt  }
0x81: {  	_ =	shalt  }
0x82: {  	_ =	shalt  }
0x83: {  	_ =	shalt  }
0x84: {  	_ =	shalt  }
0x85: {  	_ =	shalt  }
0x86: {  	_ =	shalt  }
0x87: {  	_ =	shalt  }
.Lfunc_end0:
.L_simem_size_0:
called_computation_lowered:
.L_overlay_start_0:
0x88: {  	s2 =	sld [smem:$0x3FD9]  }
0x89: {  	s3 =	sld [smem:$0x3FFE];
	_ =	sdelay $0x1  }
0x8a: {  	s1 =	srdreg.scid  }
0x8b: {  	s0 =	sand.u32 $0x1, s1  }
0x8c: {  	s14 =	sshll.u32 s0, $0xA;
	s2 =	sadd.s32 s3, s2  }
0x8d: {  	s2 =	sadd.s32 s2, s14  }
0x8e: {  	[smem:$0x3FC4] =	sst s2  }
0x8f: {  	_ = 	snop  }
0x90: {  	s2 =	sld [smem:$0x3FD0]  }
0x91: {  	s15 =	sld [smem:$0x3FC9]  }
0x92: {  	s4 =	sld [smem:$0x3FC8]  }
0x93: {  	s6 =	simm.s32 $0xA;
	s7 =	simm.s32 $0x10;
	s5 =	sld [smem:$0x3FC7]  }
0x94: {  	[smem:s7], [sflag:s6] =	dma.local [hbm:s2], $0x1  }
0x95: {  	_ =	swait.eq [sflag:s6], $0x1  }
0x96: {  	s16 =	sld [smem:$0x10];
	[sflag:s6] =	ssyncset.done $0x0  }
0x97: {  	s17 =	sld [smem:$0x11];
	[sflag:s6] =	ssyncadd.s32 $0xFFFFFFFF  }
0x98: {  	s18 =	sld [smem:$0x12];
	(tm) =	ssettm $0x1  }
0x99: {  	s8 =	sld [smem:$0x3FFB];
	_ =	sdelay $0x3  }
0x9a: {  	_ =	strace s8  }
0x9b: {  	s8 =	sld [smem:$0x3FFC];
	_ =	sdelay $0x3  }
0x9c: {  	_ =	strace s8  }
0x9d: {  	s8 =	sld [smem:$0x3FFD];
	_ =	sdelay $0x3  }
0x9e: {  	_ =	strace s8  }
0x9f: {  	_ =	strace $0x8FFFFFFF  }
0xa0: {  	s19 =	sld [smem:$0x3FDB];
	_ =	sdelay $0x1  }
0xa1: {  	s9 =	simm.s32 $_scs_section_size  }
0xa2: {  	s10 =	simm.s32 $_size__tile_overlayer_lowered;
	s11 =	simm.s32 $_tile_overlayer_lowered  }
0xa3: {  	s22 =	simm.s32 $0x1BFF;
	s21 =	sshll.u32 s11, $0x1;
	s8 =	sadd.s32 s9, s19  }
0xa4: {  	s12 =	simm.s32 $0x0;
	s20 =	sshll.u32 s10, $0x1;
	s10 =	sadd.s32 s21, s8  }
0xa5: {  	[timem:s12], [sflag:s22] =	dma.local [hbm:s10], s20  }
0xa6: {  	_ =	swait.ge [sflag:s22], s20  }
0xa7: {  	s9 =	ssub.s32 $0x0, s20;
	[sflag:s22] =	ssyncset.done $0x0  }
0xa8: {  	[sflag:s22] =	ssyncadd.s32 s9;
	_ =	sdelay $0x1  }
0xa9: {  	s23 =	simm.s32 $0x1B8B  }
0xaa: {  	_ =	swait.ge [sflag:s23], $0x1  }
0xab: {  	[sflag:s23] =	ssyncset.done $0x0  }
0xac: {  	s25 =	simm.s32 $0x1B8E;
	s24 =	sld [smem:$0x3FFE];
	[sflag:s23] =	ssyncadd.s32 $0xFFFFFFFF  }
0xad: {  	s26 =	simm.s32 $execute0_lowered;
	[smem:$0x3FD2] =	sst s25  }
0xae: {  	s10 =	sshll.u32 s26, $0x1;
	_ =	strace $0x80000046;
	[dreg:$0x1] =	wrdreg $0xFFFFFFFF  }
0xaf: {  	s28 =	simm.s32 $_size_execute0_lowered;
	s8 =	sadd.s32 s8, s10;
	[dreg:$0x0] =	wrdreg $0x0  }
0xb0: {  	s10 =	sshll.u32 s28, $0x1;
	[dreg:$0x2] =	wrdreg s8  }
0xb1: {  	[dreg:$0x3] =	wrdreg s10  }
0xb2: {  	[dreg:$0x4] =	wrdreg $0xC0  }
0xb3: {  	_ =	task [dreg:s12], $0x5FFFF  }
0xb4: {  	[dreg:$0x1] =	wrdreg $0xFFFFFFFF  }
0xb5: {  	[dreg:$0x0] =	wrdreg $0x60  }
0xb6: {  	[dreg:$0x2] =	wrdreg s15  }
0xb7: {  	[dreg:$0x3] =	wrdreg s4  }
0xb8: {  	[dreg:$0x4] =	wrdreg s5  }
0xb9: {  	[dreg:$0x5] =	wrdreg s24  }
0xba: {  	[dreg:$0x6] =	wrdreg s16  }
0xbb: {  	[dreg:$0x7] =	wrdreg s17  }
0xbc: {  	[dreg:$0x8] =	wrdreg s18  }
0xbd: {  	[dreg:$0x9] =	wrdreg $0x9  }
0xbe: {  	_ =	task.clear_ibuf [dreg:s12], $0xAFFFF;
	_ =	strace $0x90000046  }
0xbf: {  	s29 =	simm.s32 $0x9;
	_ =	strace $0x80000048  }
0xc0: {  	_ =	swait.ge [sflag:s29], $0x1  }
0xc1: {  	[sflag:s29] =	ssyncadd.s32 $0xFFFFFFFF  }
0xc2: {  	_ =	strace $0x90000048  }
0xc3: {  	_ =	sfence  }
0xc4: {  	s30 =	sld [smem:$0x0];
	_ =	sdelay $0x2  }
0xc5: {  	s31 =	sshll.u32 s1, $0xD;
	s1 =	sshrl.u32 s1, $0x2  }
0xc6: {  	s3 =	sand.u32 $0x4000, s31;
	s1 =	sadd.s32 s1, s30  }
0xc7: {  	s0 =	sor.u32 s3, s0;
	s1 =	sshll.u32 s1, $0x11  }
0xc8: {  	s0 =	sor.u32 s1, s0  }
0xc9: {  	s0 =	sadd.s32 $0x8F2B, s0  }
0xca: {  	[sflag:s0] =	ssyncadd.remote.s32 $0x1  }
0xcb: {  	_ =	sfence.sel $0xFFFF  }
0xcc: {  	[dreg:$0x0] =	wrdreg $0xFFFFFFFF;
	(pc) =	sbr.abs _section_cstart, $3  }
0xcd: {  	[dreg:$0x1] =	wrdreg $0xFFFFFFFF  }
0xce: {  	_ =	task.clear_ibuf [dreg:s12], $0x2FFFF;
	_ =	strace $0x9FFFFFFF  }
0xcf: {  	(tm) =	ssettm $0x7FFFFFFF  }
tec
execute0_lowered:
.L_overlay_start_1:
0x0: {  	(tag) =	ssettag $0x1  }
0x1: {  	s0 =	rddreg [dreg:$0x0]  }
0x2: {  	s1 =	rddreg [dreg:$0x1]  }
0x3: {  	s4 =	rddreg [dreg:$0x2]  }
0x4: {  	s3 =	rddreg [dreg:$0x3]  }
0x5: {  	s5 =	rddreg [dreg:$0x4]  }
0x6: {  	s17 =	rddreg [dreg:$0x5];
	s2 =	srdreg.scid  }
0x7: {  	s22 =	stileid.u32;
	s20 =	rddreg [dreg:$0x6];
	s31 =	simm.s32 $0x6200  }
0x8: {  	s29 =	simm.s32 $0x0;
	s18 =	sand.u32 $0x1, s2;
	s6 =	sshll.u32 s22, $0x1  }
0x9: {  	s2 =	simm.s32 $0x0;
	s3 =	sadd.s32 $0x186A800, s3;
	s11 =	sadd.s32 $0x2F78, s0  }
0xa: {  	s12 =	sadd.s32 $0x2F78, s1;
	s13 =	sadd.s32 $0x604C, s0;
	s14 =	sadd.s32 $0x604C, s1  }
0xb: {  	s26 =	smul.u32 $0x1880, s22;
	s23 =	sor.u32 s18, s6;
	[smem:$0x7FF] =	sst s2  }
0xc: {  	s7 =	ssub.s32 $0x2, s18;
	s30 =	smul.u32 $0xC40, s18;
	s18 =	sadd.s32 $0x9120, s1  }
0xd: {  	s6 =	smul.u32 $0xC40, s23;
	_ =	strace $0x80000047;
	s8 =	sshrl.u32 s7, $0x1  }
0xe: {  	s28 =	sshll.u32 s23, $0x1;
	p0 =	seq.s32 s23, $0x1F;
	s21 =	ssub.s32 s7, s8  }
0xf: {  	s20 =	sadd.s32 s20, s28;
	s22 =	sadd.s32 s30, s26;
	s10 =	sshrl.u32 s6, $0x3  }
0x10: {  	s26 =	simm.s32 $0x3;
	s21 =	smax.u32 s21, $0x1;
	s6 =	sadd.s32 s0, s10  }
0x11: {  	s15 =	sadd.s32 $0x30D4, s10;
	s16 =	sadd.s32 s1, s10;
	[dreg:$0x8] =	wrdreg s6  }
0x12: {  	s9 =	sadd.s32 $0x61A8, s10;
	s10 =	sadd.s32 s4, s10;
	[dreg:$0x9] =	wrdreg s16  }
0x13: {  	s19 =	sadd.s32 s0, s15;
	s24 =	sadd.s32 s1, s15;
	s25 =	sadd.s32 s0, s9  }
.Ltmp0:
0x14: {  	s9 =	sadd.s32 s1, s9;
	[dreg:$0xa] =	wrdreg s19;
	(pc) =	sbr.rel .LBB2_1-.Ltmp0, $4  }
0x15: {  	s15 =	sadd.s32 $0x9120, s0;
	s1 =	simm.s32 $0x1;
	[dreg:$0xb] =	wrdreg s24  }
0x16: {  	s0 =	simm.s32 $0xC440;
	[dreg:$0xc] =	wrdreg s25;
	s19 =	sshll.u32 s23, $0x3  }
0x17: {  	v0 =	vlaneseq.u32;
	s24 =	simm.s32 $0xC40;
	s23 =	simm.s32 $0xC400;
	s25 =	simm.s32 $0x2  }
0x18: {  	v1 =	vimm.f32 $0.0e+00;
	v2 =	vimm.f32 $1.000000000e+00;
	v3 =	vmul.u32 $0x8, v0;
	s16 =	sadd.s32 s5, s19;
	s17 =	sadd.s32 s17, s19;
	s19 =	sadd.s32 $0x2F78, s4  }
.LBB2_15:
0x19: {  	_ =	sdelay $0x1  }
0x1a: {  	v29 =	vor.u32 $0x3, v17  }
0x1b: {  	v40 =	vor.u32 $0x4, v17  }
0x1c: {  	v25 =	vld.idx.msk [tilespmem:v25+s31+$0x0], $0xffff  }
0x1d: {  	v26 =	vld.idx.msk [tilespmem:v26+s31+$0x0], $0xffff;
	_ =	sdelay $0x1  }
0x1e: {  	v29 =	vld.idx.msk [tilespmem:v29+s31+$0x0], $0xffff  }
0x1f: {  	v17 =	vld.idx.msk [tilespmem:v40+s31+$0x0], $0xffff  }
0x20: {  	(erf) = vrcp.f32 v14;
	v24 =	vld.idx.msk [tilespmem:v24+s31+$0x0], $0xffff;
	v27 =	vmul.f32 $5.000000000e-01, v27  }
0x21: {  	v15 =	vadd.f32 v15, v28;
	v23 =	vld.idx.msk [tilespmem:v23+s31+$0x0], $0xffff;
	v25 =	vmul.f32 v25, v25;
	v26 =	vmul.f32 v26, v26  }
0x22: {  	v19 =	vmul.f32 v19, v19;
	(erf) = vrcp.f32 v11  }
0x23: {  	v15 =	vmul.f32 $5.000000000e-01, v15;
	(erf) = vrcp.f32 v27;
	v25 =	vadd.f32 v26, v25  }
0x24: {  	v41 =	vmul.f32 v29, v29;
	v17 =	vmul.f32 v17, v17  }
0x25: {  	(erf) = vrcp.f32 v15;
	v24 =	vmul.f32 v24, v24;
	v42 =	vshrl.u32 v25, $0x1  }
0x26: {  	v23 =	vmul.f32 v23, v23;
	v43 =	vadd.s32 $0x1FBD1DF5, v42;
	v17 =	vadd.f32 v17, v41  }
0x27: {  	v21 =	vmul.f32 v21, v21;
	(erf) = vrcp.f32 v43  }
0x28: {  	v22 =	vmul.f32 v22, v22;
	v23 =	vadd.f32 v23, v24;
	v44 =	vshrl.u32 v17, $0x1  }
0x29: {  	v20 =	vmul.f32 v20, v20;
	v18 =	vmul.f32 v18, v18;
	v45 =	vadd.s32 $0x1FBD1DF5, v44  }
0x2a: {  	v47 =	vpop (erf);
	v21 =	vadd.f32 v22, v21;
	v46 =	vshrl.u32 v23, $0x1;
	(erf) = vrcp.f32 v45  }
0x2b: {  	v16 =	vmul.f32 v16, v16;
	v18 =	vadd.f32 v18, v20;
	v49 =	vpop (erf);
	v22 =	vadd.s32 $0x1FBD1DF5, v46  }
0x2c: {  	v6 =	vmul.f32 v47, v6;
	v48 =	vshrl.u32 v21, $0x1;
	v30 =	vpop (erf);
	(erf) = vrcp.f32 v22  }
0x2d: {  	v16 =	vadd.f32 v16, v19;
	v31 =	vshrl.u32 v18, $0x1;
	v29 =	vadd.s32 $0x1FBD1DF5, v48;
	v50 =	vpop (erf)  }
0x2e: {  	v6 =	vadd.f32 v6, v12;
	v31 =	vadd.s32 $0x1FBD1DF5, v31;
	v51 =	vpop (erf);
	(erf) = vrcp.f32 v29  }
0x2f: {  	v9 =	vmul.f32 v49, v9;
	v32 =	vshrl.u32 v16, $0x1;
	v33 =	vpop (erf);
	(erf) = vrcp.f32 v31  }
0x30: {  	v32 =	vadd.s32 $0x1FBD1DF5, v32;
	v6 =	vmul.f32 $5.000000000e-01, v6;
	v52 =	vpop (erf)  }
0x31: {  	v9 =	vadd.f32 v9, v13;
	(erf) = vrcp.f32 v32;
	v12 =	vmul.f32 v52, v25;
	_ =	sdelay $0x1  }
0x32: {  	v4 =	vadd.f32 v6, v4;
	v9 =	vmul.f32 $5.000000000e-01, v9;
	v12 =	vadd.f32 v43, v12;
	v53 =	vpop (erf)  }
0x33: {  	v54 =	vmul.f32 v53, v17  }
0x34: {  	v4 =	vadd.f32 v9, v4;
	v8 =	vmul.f32 v30, v8;
	v12 =	vmul.f32 $5.000000000e-01, v12;
	v6 =	vpop (erf)  }
0x35: {  	v10 =	vmul.f32 v50, v10;
	v6 =	vmul.f32 v6, v23;
	v13 =	vadd.f32 v45, v54  }
0x36: {  	v8 =	vadd.f32 v8, v14;
	v7 =	vmul.f32 v51, v7;
	v55 =	vpop (erf);
	(erf) = vrcp.f32 v12  }
0x37: {  	v56 =	vmul.f32 v55, v21;
	v57 =	vpop (erf);
	v6 =	vadd.f32 v22, v6;
	v13 =	vmul.f32 $5.000000000e-01, v13  }
0x38: {  	v10 =	vadd.f32 v10, v11;
	v8 =	vmul.f32 $5.000000000e-01, v8;
	v19 =	vmul.f32 v57, v18  }
0x39: {  	v58 =	vpop (erf);
	v14 =	vadd.f32 v29, v56;
	v6 =	vmul.f32 $5.000000000e-01, v6;
	(erf) = vrcp.f32 v13  }
0x3a: {  	v5 =	vmul.f32 v33, v5;
	v9 =	vmul.f32 v58, v16;
	v19 =	vadd.f32 v31, v19  }
0x3b: {  	v7 =	vadd.f32 v7, v27;
	v14 =	vmul.f32 $5.000000000e-01, v14;
	(erf) = vrcp.f32 v6  }
0x3c: {  	v60 =	vmul.f32 $5.000000000e-01, v10;
	v9 =	vadd.f32 v32, v9;
	v59 =	vmul.f32 $5.000000000e-01, v19  }
0x3d: {  	v7 =	vmul.f32 $5.000000000e-01, v7;
	v5 =	vadd.f32 v5, v15;
	(erf) = vrcp.f32 v14  }
0x3e: {  	v4 =	vadd.f32 v8, v4;
	v9 =	vmul.f32 $5.000000000e-01, v9;
	(erf) = vrcp.f32 v59  }
0x3f: {  	v5 =	vmul.f32 $5.000000000e-01, v5;
	v61 =	vpop (erf)  }
0x40: {  	v4 =	vadd.f32 v60, v4;
	(erf) = vrcp.f32 v9;
	v8 =	vmul.f32 v61, v25;
	_ =	sdelay $0x1  }
0x41: {  	v4 =	vadd.f32 v7, v4;
	v8 =	vadd.f32 v8, v12;
	v7 =	vpop (erf)  }
0x42: {  	v7 =	vmul.f32 v7, v17  }
0x43: {  	v4 =	vadd.f32 v5, v4;
	v8 =	vmul.f32 $5.000000000e-01, v8;
	v5 =	vpop (erf)  }
0x44: {  	v5 =	vmul.f32 v5, v23;
	v7 =	vadd.f32 v7, v13  }
0x45: {  	v62 =	vpop (erf);
	v4 =	vadd.f32 v8, v4  }
0x46: {  	v10 =	vmul.f32 v62, v21;
	v5 =	vadd.f32 v5, v6;
	v6 =	vpop (erf);
	v7 =	vmul.f32 $5.000000000e-01, v7  }
0x47: {  	v6 =	vmul.f32 v6, v18  }
0x48: {  	v63 =	vpop (erf);
	v5 =	vmul.f32 $5.000000000e-01, v5;
	v4 =	vadd.f32 v7, v4;
	v7 =	vadd.f32 v10, v14  }
0x49: {  	v8 =	vmul.f32 v63, v16  }
0x4a: {  	v6 =	vadd.f32 v6, v59;
	v4 =	vadd.f32 v5, v4;
	v5 =	vmul.f32 $5.000000000e-01, v7;
	_ =	sdelay $0x1  }
0x4b: {  	v4 =	vadd.f32 v5, v4;
	v5 =	vmul.f32 $5.000000000e-01, v6;
	v6 =	vadd.f32 v8, v9;
	_ =	sdelay $0x1  }
0x4c: {  	v4 =	vadd.f32 v5, v4;
	v5 =	vmul.f32 $5.000000000e-01, v6;
	_ =	sdelay $0x1  }
0x4d: {  	v4 =	vadd.f32 v5, v4  }
.LBB2_16:
0x4e: {  	_ = 	snop  }
0x4f: {  	[tilespmem:$0xC480] =	vst v4  }
0x50: {  	[hbm4b:s16+s2] =	stream.linear.scatter [tilespmem:s23], [sflag:$0x3], $0x40, $0x38;
	[tilespmem:$0xC490] =	vst v63  }
0x51: {  	_ =	swait.ge [sflag:s26], $0x40  }
0x52: {  	[sflag:s26] =	ssyncset.done $0x0  }
0x53: {  	[sflag:s26] =	ssyncadd.s32 $0xFFFFFFC0  }
0x54: {  	[hbm4b:s17+s2] =	stream.linear.scatter [tilespmem:s0], [sflag:$0x3], $0x40, $0x38;
	[tilespmem:$0xC490] =	vst v63  }
0x55: {  	s29 =	sadd.s32 $0x1, s29;
	_ =	swait.ge [sflag:s26], $0x40  }
0x56: {  	p1 =	sne.s32 s29, s21;
	[sflag:s26] =	ssyncset.done $0x0  }
.Ltmp1:
0x57: {  	s4 =	simm.s32 $0xC480;
	[sflag:s26] =	ssyncadd.s32 $0xFFFFFFC0;
	(pc) =	sbr.rel @!p1 .LBB2_17-.Ltmp1, $4  }
0x58: {  	[hbm4b:s20+s2] =	stream.linear.scatter [tilespmem:s4], [sflag:$0x3], $0x10, $0x38;
	[tilespmem:$0xC490] =	vst v63  }
0x59: {  	_ =	swait.ge [sflag:s26], $0x10  }
0x5a: {  	[sflag:s26] =	ssyncset.done $0x0  }
0x5b: {  	[sflag:s26] =	ssyncadd.s32 $0xFFFFFFF0  }
.LBB2_1:
0x5c: {  	[tilespmem:$0xC400] =	vst v1  }
0x5d: {  	[tilespmem:$0xC440] =	vst v1  }
0x5e: {  	[tilespmem:$0xC410] =	vst v1  }
.Ltmp2:
0x5f: {  	[tilespmem:$0xC450] =	vst v1;
	(pc) =	sbr.rel @!p0 .LBB2_2-.Ltmp2, $4  }
0x60: {  	[tilespmem:$0xC420] =	vst v1  }
0x61: {  	[tilespmem:$0xC460] =	vst v1  }
0x62: {  	[tilespmem:$0xC430] =	vst v1  }
0x63: {  	[tilespmem:$0xC470] =	vst v1  }
0x64: {  	[tilespmem:s2], [sflag:$0x1] =	stream.linear.gather [hbm4b:s11+s2], $0xAE0, $0x38;
	[tilespmem:$0xC490] =	vst v63  }
0x65: {  	s4 =	simm.s32 $0x24C0  }
0x66: {  	[tilespmem:s4], [sflag:$0x1] =	stream.linear.gather [hbm4b:s12+s2], $0xAE0, $0x38;
	[tilespmem:$0xC490] =	vst v63  }
0x67: {  	_ = 	snop  }
0x68: {  	[tilespmem:s24], [sflag:$0x1] =	stream.linear.gather [hbm4b:s13+s2], $0xAE0, $0x38;
	[tilespmem:$0xC490] =	vst v63  }
0x69: {  	s8 =	simm.s32 $0x3100  }
0x6a: {  	[tilespmem:s8], [sflag:$0x1] =	stream.linear.gather [hbm4b:s14+s2], $0xAE0, $0x38;
	[tilespmem:$0xC490] =	vst v63  }
0x6b: {  	s5 =	simm.s32 $0x1880  }
0x6c: {  	[tilespmem:s5], [sflag:$0x1] =	stream.linear.gather [hbm4b:s15+s2], $0xAE0, $0x38;
	[tilespmem:$0xC490] =	vst v63  }
0x6d: {  	s6 =	simm.s32 $0x3D40;
	s7 =	sadd.s32 $0x10, s22  }
0x6e: {  	v5 =	vor.u32 s22, v0;
	[tilespmem:s6], [sflag:$0x1] =	stream.linear.gather [hbm4b:s18+s2], $0xAE0, $0x38;
	[tilespmem:$0xC490] =	vst v63  }
0x6f: {  	v4 =	vor.u32 s7, v0;
	vm15 =	vlt.s32 v5, $0x1869F;
	s5 =	sadd.s32 $0x20, s22;
	s6 =	sadd.s32 $0x30, s22  }
0x70: {  	vm0 =	vlt.s32 v4, $0x1869F;
	v6 =	vor.u32 s5, v0;
	v7 =	vor.u32 s6, v0  }
0x71: {  	s4 =	simm.s32 $0x55E0;
	v4 =	vnsel vm0, $0x1869F, v4;
	s8 =	simm.s32 $0x4980;
	vm1 =	vlt.s32 v6, $0x1869F;
	vm2 =	vlt.s32 v7, $0x1869F  }
0x72: {  	v8 =	vshll.u32 v4, $0x4;
	v6 =	vnsel vm1, $0x1869F, v6;
	[tilespmem:s8], [sflag:$0x1] =	stream.linear.gather [hbm4b:s19+s2], $0xAE0, $0x38;
	v7 =	vnsel vm2, $0x1869F, v7;
	[tilespmem:$0xC490] =	vst v63  }
0x73: {  	s28 =	sadd.s32 $0x40, s22;
	s30 =	simm.s32 $0x5620;
	v5 =	vnsel vm15, $0x1869F, v5;
	s5 =	simm.s32 $0x0;
	v4 =	vshll.u32 v6, $0x4;
	[tilespmem:s4+$0xFFFFFFF0] =	vst v8;
	v6 =	vshll.u32 v7, $0x4  }
.LBB2_10:
0x74: {  	s6 =	sadd.s32 $0x10, s28;
	s5 =	sadd.s32 $0x4, s5  }
0x75: {  	v7 =	vor.u32 s28, v0;
	s7 =	sadd.s32 $0x20, s28;
	s8 =	sadd.s32 $0x30, s28;
	v5 =	vshll.u32 v5, $0x4;
	[tilespmem:s4+$0x10] =	vst v6;
	p1 =	slt.u32 s5, $0xC0  }
.Ltmp3:
0x76: {  	v6 =	vor.u32 s6, v0;
	v8 =	vor.u32 s7, v0;
	v9 =	vor.u32 s8, v0;
	[tilespmem:s4+$0xFFFFFFE0] =	vst v5;
	(pc) =	sbr.rel @p1 .LBB2_10-.Ltmp3, $4  }
0x77: {  	vm0 =	vlt.s32 v6, $0x1869F;
	vm1 =	vlt.s32 v8, $0x1869F;
	vm2 =	vlt.s32 v9, $0x1869F;
	[tilespmem:s4+$0x0] =	vst v4;
	s4 =	smov.u32 s30  }
0x78: {  	v4 =	vnsel vm0, $0x1869F, v6;
	v5 =	vnsel vm1, $0x1869F, v8;
	v6 =	vnsel vm2, $0x1869F, v9  }
0x79: {  	vm0 =	vlt.s32 v7, $0x1869F;
	v8 =	vshll.u32 v4, $0x4;
	v4 =	vshll.u32 v5, $0x4  }
0x7a: {  	s28 =	sadd.s32 $0x40, s28;
	s30 =	sadd.s32 $0x40, s30;
	v5 =	vnsel vm0, $0x1869F, v7;
	v6 =	vshll.u32 v6, $0x4;
	[tilespmem:s4+$0xFFFFFFF0] =	vst v8  }
0x7b: {  	[tilespmem:s4+$0x10] =	vst v6  }
0x7c: {  	v5 =	vshll.u32 v5, $0x4;
	[tilespmem:s4+$0x0] =	vst v4  }
0x7d: {  	s8 =	simm.s32 $0x55C0;
	[tilespmem:s4+$0xFFFFFFE0] =	vst v5  }
0x7e: {  	[tilespmem:s31], [sflag:$0x2] =	stream.indirect.gather [hbm4b:s3+s24], $0x8, s8, s24, $0xb8;
	[tilespmem:$0xC490] =	vst v63  }
0x7f: {  	_ =	swait.ge [sflag:s1], $0xAE0  }
0x80: {  	[sflag:s1] =	ssyncset.done $0x0  }
0x81: {  	[sflag:s1] =	ssyncadd.s32 $0xFFFFF520  }
0x82: {  	_ =	swait.ge [sflag:s1], $0xAE0  }
0x83: {  	[sflag:s1] =	ssyncset.done $0x0  }
0x84: {  	[sflag:s1] =	ssyncadd.s32 $0xFFFFF520  }
0x85: {  	_ =	swait.ge [sflag:s1], $0xAE0  }
0x86: {  	[sflag:s1] =	ssyncset.done $0x0  }
0x87: {  	[sflag:s1] =	ssyncadd.s32 $0xFFFFF520  }
0x88: {  	_ =	swait.ge [sflag:s1], $0xAE0  }
0x89: {  	[sflag:s1] =	ssyncset.done $0x0  }
0x8a: {  	[sflag:s1] =	ssyncadd.s32 $0xFFFFF520  }
0x8b: {  	_ =	swait.ge [sflag:s1], $0xAE0  }
0x8c: {  	[sflag:s1] =	ssyncset.done $0x0  }
0x8d: {  	[sflag:s1] =	ssyncadd.s32 $0xFFFFF520  }
0x8e: {  	_ =	swait.ge [sflag:s1], $0xAE0  }
0x8f: {  	[sflag:s1] =	ssyncset.done $0x0  }
0x90: {  	[sflag:s1] =	ssyncadd.s32 $0xFFFFF520  }
0x91: {  	_ =	swait.ge [sflag:s1], $0xAE0  }
0x92: {  	s5 =	simm.s32 $0x49B0;
	s28 =	simm.s32 $0x3130;
	[sflag:s1] =	ssyncset.done $0x0  }
0x93: {  	s30 =	simm.s32 $0xC70;
	s4 =	simm.s32 $0xFFFFFFFA;
	[sflag:s1] =	ssyncadd.s32 $0xFFFFF520  }
.LBB2_12:
0x94: {  	v4 =	vld [tilespmem:s5+$0xFFFFFFD0];
	_ =	sdelay $0x7  }
0x95: {  	[tilespmem:v4+s0+$0x0] =	vst.idx.add.f32.msk $0xffff, v2  }
0x96: {  	v5 =	vld [tilespmem:s30+$0xFFFFF390]  }
0x97: {  	v6 =	vld [tilespmem:s28+$0xFFFFF390]  }
0x98: {  	v7 =	vld [tilespmem:s30+$0xFFFFFFD0]  }
0x99: {  	v8 =	vld [tilespmem:s28+$0xFFFFFFD0]  }
0x9a: {  	v9 =	vld [tilespmem:s30+$0xC10]  }
0x9b: {  	v10 =	vld [tilespmem:s28+$0xC10];
	_ =	sdelay $0x2  }
0x9c: {  	v5 =	vsub.f32 v5, v6;
	v21 =	vsub.f32 v7, v8;
	_ =	sdelay $0x1  }
0x9d: {  	v22 =	vsub.f32 v9, v10;
	v5 =	vand.u32 $0x7FFFFFFF, v5;
	v6 =	vand.u32 $0x7FFFFFFF, v21  }
0x9e: {  	v5 =	vadd.f32 v6, v5  }
0x9f: {  	v23 =	vand.u32 $0x7FFFFFFF, v22  }
0xa0: {  	v5 =	vadd.f32 v23, v5;
	_ =	sdelay $0x1  }
0xa1: {  	[tilespmem:v4+s23+$0x0] =	vst.idx.add.f32.msk $0xffff, v5  }
0xa2: {  	v4 =	vld [tilespmem:s5+$0xFFFFFFE0];
	_ =	sdelay $0x7  }
0xa3: {  	[tilespmem:v4+s0+$0x0] =	vst.idx.add.f32.msk $0xffff, v2  }
0xa4: {  	v5 =	vld [tilespmem:s30+$0xFFFFF3A0]  }
0xa5: {  	v24 =	vld [tilespmem:s28+$0xFFFFF3A0]  }
0xa6: {  	v25 =	vld [tilespmem:s30+$0xFFFFFFE0]  }
0xa7: {  	v26 =	vld [tilespmem:s28+$0xFFFFFFE0]  }
0xa8: {  	v27 =	vld [tilespmem:s30+$0xC20]  }
0xa9: {  	v28 =	vld [tilespmem:s28+$0xC20];
	_ =	sdelay $0x2  }
0xaa: {  	v5 =	vsub.f32 v5, v24;
	v29 =	vsub.f32 v25, v26;
	_ =	sdelay $0x1  }
0xab: {  	v30 =	vsub.f32 v27, v28;
	v5 =	vand.u32 $0x7FFFFFFF, v5;
	v6 =	vand.u32 $0x7FFFFFFF, v29  }
0xac: {  	v5 =	vadd.f32 v6, v5  }
0xad: {  	v31 =	vand.u32 $0x7FFFFFFF, v30  }
0xae: {  	v5 =	vadd.f32 v31, v5;
	_ =	sdelay $0x1  }
0xaf: {  	[tilespmem:v4+s23+$0x0] =	vst.idx.add.f32.msk $0xffff, v5  }
0xb0: {  	v4 =	vld [tilespmem:s5+$0xFFFFFFF0];
	_ =	sdelay $0x7  }
0xb1: {  	[tilespmem:v4+s0+$0x0] =	vst.idx.add.f32.msk $0xffff, v2  }
0xb2: {  	v5 =	vld [tilespmem:s30+$0xFFFFF3B0]  }
0xb3: {  	v32 =	vld [tilespmem:s28+$0xFFFFF3B0]  }
0xb4: {  	v33 =	vld [tilespmem:s30+$0xFFFFFFF0]  }
0xb5: {  	v34 =	vld [tilespmem:s28+$0xFFFFFFF0]  }
0xb6: {  	v35 =	vld [tilespmem:s30+$0xC30]  }
0xb7: {  	v36 =	vld [tilespmem:s28+$0xC30];
	_ =	sdelay $0x2  }
0xb8: {  	v5 =	vsub.f32 v5, v32;
	v37 =	vsub.f32 v33, v34;
	_ =	sdelay $0x1  }
0xb9: {  	v38 =	vsub.f32 v35, v36;
	v5 =	vand.u32 $0x7FFFFFFF, v5;
	v6 =	vand.u32 $0x7FFFFFFF, v37  }
0xba: {  	v5 =	vadd.f32 v6, v5  }
0xbb: {  	v39 =	vand.u32 $0x7FFFFFFF, v38  }
0xbc: {  	v5 =	vadd.f32 v39, v5;
	_ =	sdelay $0x1  }
0xbd: {  	[tilespmem:v4+s23+$0x0] =	vst.idx.add.f32.msk $0xffff, v5  }
0xbe: {  	v4 =	vld [tilespmem:s5+$0x0];
	_ =	sdelay $0x7  }
0xbf: {  	[tilespmem:v4+s0+$0x0] =	vst.idx.add.f32.msk $0xffff, v2  }
0xc0: {  	v5 =	vld [tilespmem:s30+$0xFFFFF3C0]  }
0xc1: {  	v40 =	vld [tilespmem:s28+$0xFFFFF3C0]  }
0xc2: {  	v41 =	vld [tilespmem:s30+$0x0]  }
0xc3: {  	v42 =	vld [tilespmem:s28+$0x0]  }
0xc4: {  	v43 =	vld [tilespmem:s30+$0xC40]  }
0xc5: {  	v44 =	vld [tilespmem:s28+$0xC40];
	_ =	sdelay $0x2  }
0xc6: {  	v5 =	vsub.f32 v5, v40;
	v45 =	vsub.f32 v41, v42;
	_ =	sdelay $0x1  }
0xc7: {  	v46 =	vsub.f32 v43, v44;
	v5 =	vand.u32 $0x7FFFFFFF, v5;
	v6 =	vand.u32 $0x7FFFFFFF, v45  }
0xc8: {  	v5 =	vadd.f32 v6, v5  }
0xc9: {  	v47 =	vand.u32 $0x7FFFFFFF, v46  }
0xca: {  	v5 =	vadd.f32 v47, v5;
	_ =	sdelay $0x1  }
0xcb: {  	[tilespmem:v4+s23+$0x0] =	vst.idx.add.f32.msk $0xffff, v5  }
0xcc: {  	v4 =	vld [tilespmem:s5+$0x10];
	_ =	sdelay $0x7  }
0xcd: {  	[tilespmem:v4+s0+$0x0] =	vst.idx.add.f32.msk $0xffff, v2  }
0xce: {  	v5 =	vld [tilespmem:s30+$0xFFFFF3D0]  }
0xcf: {  	v48 =	vld [tilespmem:s28+$0xFFFFF3D0]  }
0xd0: {  	v49 =	vld [tilespmem:s30+$0x10]  }
0xd1: {  	v50 =	vld [tilespmem:s28+$0x10]  }
0xd2: {  	v51 =	vld [tilespmem:s30+$0xC50]  }
0xd3: {  	v52 =	vld [tilespmem:s28+$0xC50];
	_ =	sdelay $0x2  }
0xd4: {  	v5 =	vsub.f32 v5, v48;
	v53 =	vsub.f32 v49, v50;
	_ =	sdelay $0x1  }
0xd5: {  	v54 =	vsub.f32 v51, v52;
	v5 =	vand.u32 $0x7FFFFFFF, v5;
	v6 =	vand.u32 $0x7FFFFFFF, v53  }
0xd6: {  	v5 =	vadd.f32 v6, v5  }
0xd7: {  	v55 =	vand.u32 $0x7FFFFFFF, v54  }
0xd8: {  	v5 =	vadd.f32 v55, v5;
	_ =	sdelay $0x1  }
0xd9: {  	[tilespmem:v4+s23+$0x0] =	vst.idx.add.f32.msk $0xffff, v5  }
0xda: {  	v4 =	vld [tilespmem:s5+$0x20];
	_ =	sdelay $0x7  }
0xdb: {  	[tilespmem:v4+s0+$0x0] =	vst.idx.add.f32.msk $0xffff, v2  }
0xdc: {  	v5 =	vld [tilespmem:s30+$0xFFFFF3E0]  }
0xdd: {  	v56 =	vld [tilespmem:s28+$0xFFFFF3E0]  }
0xde: {  	v57 =	vld [tilespmem:s30+$0x20]  }
0xdf: {  	v58 =	vld [tilespmem:s28+$0x20]  }
0xe0: {  	v59 =	vld [tilespmem:s30+$0xC60]  }
0xe1: {  	v60 =	vld [tilespmem:s28+$0xC60];
	_ =	sdelay $0x2  }
0xe2: {  	v5 =	vsub.f32 v5, v56;
	v61 =	vsub.f32 v57, v58  }
0xe3: {  	s4 =	sadd.s32 $0x6, s4  }
0xe4: {  	p1 =	slt.u32 s4, $0xA8;
	v62 =	vsub.f32 v59, v60;
	v5 =	vand.u32 $0x7FFFFFFF, v5;
	v6 =	vand.u32 $0x7FFFFFFF, v61  }
.Ltmp4:
0xe5: {  	v5 =	vadd.f32 v6, v5;
	(pc) =	sbr.rel @p1 .LBB2_12-.Ltmp4, $3  }
0xe6: {  	v63 =	vand.u32 $0x7FFFFFFF, v62  }
0xe7: {  	v5 =	vadd.f32 v63, v5;
	_ =	sdelay $0x1  }
0xe8: {  	s5 =	sadd.s32 $0x60, s5;
	s28 =	sadd.s32 $0x60, s28;
	s30 =	sadd.s32 $0x60, s30;
	[tilespmem:v4+s23+$0x0] =	vst.idx.add.f32.msk $0xffff, v5  }
0xe9: {  	s4 =	simm.s32 $0x50  }
0xea: {  	v4 =	vmov s4  }
0xeb: {  	s5 =	simm.s32 $0x40;
	s6 =	simm.s32 $0x30;
	v4 =	vshll.u32 v4, $0x3  }
0xec: {  	v5 =	vmov s5;
	v7 =	vmov s6;
	v4 =	vor.u32 v3, v4  }
0xed: {  	s7 =	simm.s32 $0x0;
	v5 =	vshll.u32 v5, $0x3;
	v6 =	vor.u32 $0x3, v4;
	v4 =	vor.u32 $0x4, v4  }
0xee: {  	v8 =	vmov s7;
	v7 =	vshll.u32 v7, $0x3;
	v5 =	vor.u32 v3, v5  }
0xef: {  	_ =	swait.ge [sflag:s25], $0x6200;
	s8 =	simm.s32 $0x10;
	v8 =	vshll.u32 v8, $0x3;
	v7 =	vor.u32 v3, v7;
	v9 =	vor.u32 $0x3, v5  }
0xf0: {  	[sflag:s25] =	ssyncset.done $0x0;
	v10 =	vmov s8;
	v8 =	vor.u32 v3, v8;
	v11 =	vor.u32 $0x3, v7  }
0xf1: {  	s28 =	simm.s32 $0x20;
	[sflag:s25] =	ssyncadd.s32 $0xFFFF9E00;
	v10 =	vshll.u32 v10, $0x3;
	v12 =	vor.u32 $0x3, v8  }
0xf2: {  	v13 =	vmov s28;
	v10 =	vor.u32 v3, v10;
	v14 =	vld.idx.msk [tilespmem:v4+s31+$0x0], $0xffff;
	v4 =	vor.u32 $0x4, v8  }
0xf3: {  	v6 =	vld.idx.msk [tilespmem:v6+s31+$0x0], $0xffff;
	v8 =	vshll.u32 v13, $0x3;
	v13 =	vor.u32 $0x3, v10  }
0xf4: {  	v9 =	vld.idx.msk [tilespmem:v9+s31+$0x0], $0xffff;
	v10 =	vor.u32 $0x4, v10;
	v8 =	vor.u32 v3, v8  }
0xf5: {  	v11 =	vld.idx.msk [tilespmem:v11+s31+$0x0], $0xffff;
	v15 =	vor.u32 $0x3, v8  }
0xf6: {  	v12 =	vld.idx.msk [tilespmem:v12+s31+$0x0], $0xffff;
	v8 =	vor.u32 $0x4, v8  }
0xf7: {  	v7 =	vor.u32 $0x4, v7;
	v16 =	vld.idx.msk [tilespmem:v4+s31+$0x0], $0xffff  }
0xf8: {  	v5 =	vor.u32 $0x4, v5;
	v13 =	vld.idx.msk [tilespmem:v13+s31+$0x0], $0xffff  }
0xf9: {  	v10 =	vld.idx.msk [tilespmem:v10+s31+$0x0], $0xffff  }
0xfa: {  	v15 =	vld.idx.msk [tilespmem:v15+s31+$0x0], $0xffff  }
0xfb: {  	s5 =	simm.s32 $0xB0;
	s6 =	simm.s32 $0xA0;
	v8 =	vld.idx.msk [tilespmem:v8+s31+$0x0], $0xffff  }
0xfc: {  	v17 =	vmov s5;
	v19 =	vmov s6;
	v7 =	vld.idx.msk [tilespmem:v7+s31+$0x0], $0xffff;
	v18 =	vmul.f32 v6, v6  }
0xfd: {  	v17 =	vshll.u32 v17, $0x3;
	v5 =	vld.idx.msk [tilespmem:v5+s31+$0x0], $0xffff;
	v6 =	vmul.f32 v12, v12;
	v20 =	vmul.f32 v9, v9  }
0xfe: {  	v17 =	vor.u32 v3, v17;
	v14 =	vmul.f32 v14, v14;
	v12 =	vmul.f32 v16, v16  }
0xff: {  	v25 =	vor.u32 $0x4, v17;
	v9 =	vmul.f32 v13, v13;
	v10 =	vmul.f32 v10, v10  }
0x100: {  	v6 =	vadd.f32 v12, v6;
	v13 =	vmul.f32 v15, v15;
	v8 =	vmul.f32 v8, v8  }
0x101: {  	v7 =	vmul.f32 v7, v7;
	v9 =	vadd.f32 v10, v9;
	v10 =	vmul.f32 v11, v11  }
0x102: {  	v5 =	vmul.f32 v5, v5;
	v15 =	vshrl.u32 v6, $0x1;
	v8 =	vadd.f32 v8, v13  }
0x103: {  	v10 =	vadd.f32 v7, v10;
	v11 =	vadd.s32 $0x1FBD1DF5, v15;
	v15 =	vshrl.u32 v9, $0x1  }
0x104: {  	s7 =	simm.s32 $0x80;
	(erf) = vrcp.f32 v11;
	v21 =	vadd.s32 $0x1FBD1DF5, v15;
	v7 =	vshrl.u32 v8, $0x1  }
0x105: {  	s5 =	simm.s32 $0x90;
	v12 =	vmov s7;
	(erf) = vrcp.f32 v21;
	v22 =	vadd.s32 $0x1FBD1DF5, v7  }
0x106: {  	s8 =	simm.s32 $0x70;
	v16 =	vmov s5;
	v12 =	vshll.u32 v12, $0x3;
	(erf) = vrcp.f32 v22  }
0x107: {  	v13 =	vmov s8;
	v23 =	vshrl.u32 v10, $0x1;
	v7 =	vadd.f32 v5, v20  }
0x108: {  	s28 =	simm.s32 $0x60;
	v13 =	vshll.u32 v13, $0x3;
	v26 =	vadd.s32 $0x1FBD1DF5, v23;
	v5 =	vadd.f32 v14, v18  }
0x109: {  	v15 =	vmov s28;
	v20 =	vshrl.u32 v7, $0x1;
	(erf) = vrcp.f32 v26  }
0x10a: {  	v14 =	vshll.u32 v16, $0x3;
	v18 =	vshrl.u32 v5, $0x1;
	v27 =	vadd.s32 $0x1FBD1DF5, v20  }
0x10b: {  	v16 =	vshll.u32 v19, $0x3;
	v19 =	vshll.u32 v15, $0x3;
	(erf) = vrcp.f32 v27  }
0x10c: {  	v14 =	vor.u32 v3, v14;
	v16 =	vor.u32 v3, v16;
	v15 =	vadd.s32 $0x1FBD1DF5, v18  }
0x10d: {  	v28 =	vor.u32 $0x3, v16;
	v20 =	vor.u32 $0x3, v17;
	(erf) = vrcp.f32 v15;
	v18 =	vpop (erf)  }
0x10e: {  	v17 =	vor.u32 v3, v13;
	v13 =	vor.u32 v3, v12;
	v18 =	vmul.f32 v18, v6;
	v12 =	vpop (erf)  }
0x10f: {  	v29 =	vor.u32 $0x4, v16;
	v31 =	vor.u32 $0x3, v14;
	v32 =	vor.u32 $0x4, v14;
	v14 =	vpop (erf)  }
0x110: {  	v16 =	vmul.f32 v12, v9;
	v11 =	vadd.f32 v11, v18;
	v14 =	vmul.f32 v14, v8  }
0x111: {  	v4 =	vimm.f32 $0.0e+00  }
0x112: {  	v30 =	vor.u32 v3, v19;
	v19 =	vld.idx.msk [tilespmem:v20+s31+$0x0], $0xffff;
	v12 =	vmul.f32 $5.000000000e-01, v11;
	v11 =	vadd.f32 v21, v16;
	v18 =	vpop (erf)  }
0x113: {  	v24 =	vor.u32 $0x3, v13;
	v23 =	vor.u32 $0x4, v13;
	v20 =	vld.idx.msk [tilespmem:v28+s31+$0x0], $0xffff;
	v21 =	vmul.f32 v18, v10  }
0x114: {  	v16 =	vld.idx.msk [tilespmem:v25+s31+$0x0], $0xffff;
	v13 =	vmul.f32 $5.000000000e-01, v11;
	v11 =	vadd.f32 v22, v14;
	(erf) = vrcp.f32 v12;
	v14 =	vpop (erf)  }
0x115: {  	v25 =	vor.u32 $0x3, v30;
	v18 =	vld.idx.msk [tilespmem:v29+s31+$0x0], $0xffff;
	v28 =	vadd.f32 v26, v21;
	v29 =	vmul.f32 v14, v7  }
0x116: {  	v22 =	vld.idx.msk [tilespmem:v32+s31+$0x0], $0xffff;
	v26 =	vor.u32 $0x4, v30;
	v30 =	vpop (erf);
	v14 =	vmul.f32 $5.000000000e-01, v11;
	(erf) = vrcp.f32 v13  }
0x117: {  	s30 =	simm.s32 $0x110;
	s4 =	simm.s32 $0x6;
	v21 =	vld.idx.msk [tilespmem:v31+s31+$0x0], $0xffff;
	v11 =	vmul.f32 $5.000000000e-01, v28;
	v27 =	vadd.f32 v27, v29;
	v28 =	vmul.f32 v30, v5  }
.LBB2_14:
0x118: {  	v29 =	vmov s30;
	v30 =	vor.u32 $0x3, v17;
	v24 =	vld.idx.msk [tilespmem:v24+s31+$0x0], $0xffff;
	(erf) = vrcp.f32 v14  }
0x119: {  	v27 =	vmul.f32 $5.000000000e-01, v27;
	v15 =	vadd.f32 v15, v28;
	v23 =	vld.idx.msk [tilespmem:v23+s31+$0x0], $0xffff;
	(erf) = vrcp.f32 v11  }
0x11a: {  	s5 =	sadd.s32 $0xFFFFFFF0, s30;
	v17 =	vor.u32 $0x4, v17;
	v19 =	vmul.f32 v19, v19;
	v28 =	vshll.u32 v29, $0x3;
	v25 =	vld.idx.msk [tilespmem:v25+s31+$0x0], $0xffff  }
0x11b: {  	s6 =	sadd.s32 $0xFFFFFFE0, s30;
	v29 =	vmov s5;
	v15 =	vmul.f32 $5.000000000e-01, v15;
	v26 =	vld.idx.msk [tilespmem:v26+s31+$0x0], $0xffff;
	(erf) = vrcp.f32 v27  }
0x11c: {  	v20 =	vmul.f32 v20, v20;
	v16 =	vmul.f32 v16, v16;
	s5 =	sadd.s32 $0xFFFFFFD0, s30;
	v31 =	vmov s6  }
0x11d: {  	v18 =	vmul.f32 v18, v18;
	s6 =	sadd.s32 $0xFFFFFFC0, s30;
	v32 =	vmov s5;
	v30 =	vld.idx.msk [tilespmem:v30+s31+$0x0], $0xffff;
	v33 =	vpop (erf);
	(erf) = vrcp.f32 v15  }
0x11e: {  	v21 =	vmul.f32 v21, v21;
	s5 =	sadd.s32 $0xFFFFFFB0, s30;
	v34 =	vmov s6;
	v6 =	vmul.f32 v33, v6  }
0x11f: {  	v22 =	vmul.f32 v22, v22;
	v24 =	vmul.f32 v24, v24;
	v33 =	vmov s5;
	v17 =	vld.idx.msk [tilespmem:v17+s31+$0x0], $0xffff;
	v35 =	vpop (erf)  }
0x120: {  	v23 =	vmul.f32 v23, v23;
	v6 =	vadd.f32 v6, v12;
	v9 =	vmul.f32 v35, v9  }
0x121: {  	v25 =	vmul.f32 v25, v25;
	v12 =	vor.u32 v3, v28;
	v26 =	vmul.f32 v26, v26;
	v28 =	vpop (erf)  }
0x122: {  	v35 =	vmul.f32 $5.000000000e-01, v6;
	v9 =	vadd.f32 v9, v13;
	v8 =	vmul.f32 v28, v8;
	v13 =	vpop (erf)  }
0x123: {  	v6 =	vadd.f32 v26, v25;
	v25 =	vmul.f32 v30, v30;
	v10 =	vmul.f32 v13, v10  }
0x124: {  	v4 =	vadd.f32 v35, v4;
	v9 =	vmul.f32 $5.000000000e-01, v9;
	v8 =	vadd.f32 v8, v14;
	v13 =	vpop (erf)  }
0x125: {  	v14 =	vshrl.u32 v6, $0x1;
	v17 =	vmul.f32 v17, v17;
	v7 =	vmul.f32 v13, v7  }
0x126: {  	v10 =	vadd.f32 v10, v11;
	v4 =	vadd.f32 v9, v4;
	v8 =	vmul.f32 $5.000000000e-01, v8;
	v11 =	vpop (erf)  }
0x127: {  	v13 =	vadd.s32 $0x1FBD1DF5, v14;
	v9 =	vadd.f32 v17, v25;
	v5 =	vmul.f32 v11, v5  }
0x128: {  	v10 =	vmul.f32 $5.000000000e-01, v10;
	v7 =	vadd.f32 v7, v27;
	v4 =	vadd.f32 v8, v4  }
0x129: {  	v11 =	vshrl.u32 v9, $0x1;
	v8 =	vadd.f32 v23, v24;
	(erf) = vrcp.f32 v13  }
0x12a: {  	v7 =	vmul.f32 $5.000000000e-01, v7;
	v5 =	vadd.f32 v5, v15;
	v4 =	vadd.f32 v10, v4  }
0x12b: {  	v11 =	vadd.s32 $0x1FBD1DF5, v11;
	v14 =	vshrl.u32 v8, $0x1;
	v10 =	vadd.f32 v22, v21  }
0x12c: {  	v5 =	vmul.f32 $5.000000000e-01, v5;
	(erf) = vrcp.f32 v11;
	v4 =	vadd.f32 v7, v4  }
0x12d: {  	v14 =	vadd.s32 $0x1FBD1DF5, v14;
	v15 =	vshrl.u32 v10, $0x1;
	v7 =	vadd.f32 v18, v20  }
0x12e: {  	v21 =	vadd.s32 $0x1FBD1DF5, v15;
	(erf) = vrcp.f32 v14;
	v4 =	vadd.f32 v5, v4  }
0x12f: {  	v15 =	vshrl.u32 v7, $0x1;
	v5 =	vadd.f32 v16, v19;
	(erf) = vrcp.f32 v21  }
0x130: {  	v17 =	vshll.u32 v29, $0x3;
	v16 =	vshll.u32 v31, $0x3;
	v27 =	vadd.s32 $0x1FBD1DF5, v15  }
0x131: {  	v18 =	vshll.u32 v32, $0x3;
	v15 =	vshrl.u32 v5, $0x1;
	(erf) = vrcp.f32 v27  }
0x132: {  	v20 =	vshll.u32 v34, $0x3;
	v19 =	vshll.u32 v33, $0x3;
	v15 =	vadd.s32 $0x1FBD1DF5, v15;
	v22 =	vpop (erf)  }
0x133: {  	v25 =	vor.u32 $0x4, v12;
	v23 =	vor.u32 $0x3, v12;
	(erf) = vrcp.f32 v15  }
0x134: {  	v12 =	vor.u32 v3, v16;
	v16 =	vor.u32 v3, v17;
	v22 =	vmul.f32 v22, v6  }
0x135: {  	v18 =	vor.u32 v3, v18;
	v17 =	vor.u32 v3, v20;
	v20 =	vor.u32 $0x3, v16;
	v24 =	vpop (erf)  }
0x136: {  	v26 =	vor.u32 $0x4, v16;
	v31 =	vadd.f32 v13, v22;
	v16 =	vmul.f32 v24, v9  }
0x137: {  	s4 =	sadd.s32 $0x6, s4;
	v28 =	vor.u32 $0x3, v12;
	v29 =	vor.u32 $0x4, v12;
	v22 =	vor.u32 v3, v19;
	v24 =	vpop (erf)  }
0x138: {  	p1 =	slt.u32 s4, $0xA8;
	v12 =	vmul.f32 $5.000000000e-01, v31;
	v19 =	vld.idx.msk [tilespmem:v23+s31+$0x0], $0xffff;
	v11 =	vadd.f32 v11, v16;
	v30 =	vmul.f32 v24, v8;
	v13 =	vpop (erf)  }
.Ltmp5:
0x139: {  	v24 =	vor.u32 $0x3, v18;
	v23 =	vor.u32 $0x4, v18;
	v16 =	vld.idx.msk [tilespmem:v25+s31+$0x0], $0xffff;
	v31 =	vmul.f32 v13, v10;
	(pc) =	sbr.rel @p1 .LBB2_14-.Ltmp5, $4  }
0x13a: {  	v20 =	vld.idx.msk [tilespmem:v20+s31+$0x0], $0xffff;
	v13 =	vmul.f32 $5.000000000e-01, v11;
	v11 =	vadd.f32 v14, v30;
	(erf) = vrcp.f32 v12;
	v14 =	vpop (erf)  }
0x13b: {  	v25 =	vor.u32 $0x3, v22;
	v18 =	vld.idx.msk [tilespmem:v26+s31+$0x0], $0xffff;
	v30 =	vadd.f32 v21, v31;
	v31 =	vmul.f32 v14, v7  }
0x13c: {  	v26 =	vor.u32 $0x4, v22;
	v21 =	vld.idx.msk [tilespmem:v28+s31+$0x0], $0xffff;
	v14 =	vmul.f32 $5.000000000e-01, v11;
	(erf) = vrcp.f32 v13;
	v28 =	vpop (erf)  }
0x13d: {  	s30 =	sadd.s32 $0x60, s30;
	v22 =	vld.idx.msk [tilespmem:v29+s31+$0x0], $0xffff;
	v11 =	vmul.f32 $5.000000000e-01, v30;
	v27 =	vadd.f32 v27, v31;
	v28 =	vmul.f32 v28, v5  }
.Ltmp6:
0x13e: {  	_ = 	snop;
	(pc) =	sbr.rel .LBB2_15-.Ltmp6, $1  }
0x13f: {  	_ =	sdelay $0x3  }
.LBB2_2:
0x140: {  	s4 =	rddreg [dreg:$0x8]  }
0x141: {  	[tilespmem:s2], [sflag:$0x1] =	stream.linear.gather [hbm4b:s4+s2], $0xC40, $0x38;
	[tilespmem:$0xC490] =	vst v63  }
0x142: {  	s7 =	rddreg [dreg:$0x9];
	s5 =	simm.s32 $0x24C0  }
0x143: {  	[tilespmem:s5], [sflag:$0x1] =	stream.linear.gather [hbm4b:s7+s2], $0xC40, $0x38;
	[tilespmem:$0xC490] =	vst v63  }
0x144: {  	s8 =	rddreg [dreg:$0xa]  }
0x145: {  	[tilespmem:s24], [sflag:$0x1] =	stream.linear.gather [hbm4b:s8+s2], $0xC40, $0x38;
	[tilespmem:$0xC490] =	vst v63  }
0x146: {  	s6 =	simm.s32 $0x3100;
	s28 =	sadd.s32 $0x30, s22;
	s5 =	rddreg [dreg:$0xb]  }
0x147: {  	[tilespmem:s6], [sflag:$0x1] =	stream.linear.gather [hbm4b:s5+s2], $0xC40, $0x38;
	[tilespmem:$0xC490] =	vst v63  }
0x148: {  	s7 =	rddreg [dreg:$0xc];
	s8 =	simm.s32 $0x1880;
	s6 =	sadd.s32 $0x10, s22  }
0x149: {  	[tilespmem:s8], [sflag:$0x1] =	stream.linear.gather [hbm4b:s7+s2], $0xC40, $0x38;
	[tilespmem:$0xC490] =	vst v63  }
0x14a: {  	v5 =	vor.u32 s22, v0;
	v7 =	vor.u32 s28, v0;
	s5 =	simm.s32 $0x3D40;
	v4 =	vor.u32 s6, v0;
	s7 =	sadd.s32 $0x20, s22  }
0x14b: {  	vm15 =	vlt.s32 v5, $0x1869F;
	vm0 =	vlt.s32 v4, $0x1869F;
	v6 =	vor.u32 s7, v0;
	[tilespmem:s5], [sflag:$0x1] =	stream.linear.gather [hbm4b:s9+s2], $0xC40, $0x38;
	[tilespmem:$0xC490] =	vst v63  }
0x14c: {  	s4 =	simm.s32 $0x55E0;
	vm2 =	vlt.s32 v7, $0x1869F;
	s8 =	simm.s32 $0x4980;
	v4 =	vnsel vm0, $0x1869F, v4;
	vm1 =	vlt.s32 v6, $0x1869F  }
0x14d: {  	v7 =	vnsel vm2, $0x1869F, v7;
	v8 =	vshll.u32 v4, $0x4;
	v6 =	vnsel vm1, $0x1869F, v6;
	[tilespmem:s8], [sflag:$0x1] =	stream.linear.gather [hbm4b:s10+s2], $0xC40, $0x38;
	[tilespmem:$0xC490] =	vst v63  }
0x14e: {  	s30 =	simm.s32 $0x5620;
	s28 =	sadd.s32 $0x40, s22;
	v5 =	vnsel vm15, $0x1869F, v5;
	s5 =	simm.s32 $0x0;
	v4 =	vshll.u32 v6, $0x4;
	v6 =	vshll.u32 v7, $0x4;
	[tilespmem:s4+$0xFFFFFFF0] =	vst v8  }
.LBB2_3:
0x14f: {  	s6 =	sadd.s32 $0x10, s28;
	s5 =	sadd.s32 $0x4, s5  }
0x150: {  	v7 =	vor.u32 s28, v0;
	s7 =	sadd.s32 $0x20, s28;
	s8 =	sadd.s32 $0x30, s28;
	v5 =	vshll.u32 v5, $0x4;
	[tilespmem:s4+$0x10] =	vst v6;
	p1 =	slt.u32 s5, $0xC0  }
.Ltmp7:
0x151: {  	v6 =	vor.u32 s6, v0;
	v8 =	vor.u32 s7, v0;
	v9 =	vor.u32 s8, v0;
	[tilespmem:s4+$0xFFFFFFE0] =	vst v5;
	(pc) =	sbr.rel @p1 .LBB2_3-.Ltmp7, $4  }
0x152: {  	vm0 =	vlt.s32 v6, $0x1869F;
	vm1 =	vlt.s32 v8, $0x1869F;
	vm2 =	vlt.s32 v9, $0x1869F;
	[tilespmem:s4+$0x0] =	vst v4;
	s4 =	smov.u32 s30  }
0x153: {  	v4 =	vnsel vm0, $0x1869F, v6;
	v5 =	vnsel vm1, $0x1869F, v8;
	v6 =	vnsel vm2, $0x1869F, v9  }
0x154: {  	vm0 =	vlt.s32 v7, $0x1869F;
	v8 =	vshll.u32 v4, $0x4;
	v4 =	vshll.u32 v5, $0x4  }
0x155: {  	s28 =	sadd.s32 $0x40, s28;
	s30 =	sadd.s32 $0x40, s30;
	v5 =	vnsel vm0, $0x1869F, v7;
	v6 =	vshll.u32 v6, $0x4;
	[tilespmem:s4+$0xFFFFFFF0] =	vst v8  }
0x156: {  	[tilespmem:s4+$0x10] =	vst v6  }
0x157: {  	v5 =	vshll.u32 v5, $0x4;
	[tilespmem:s4+$0x0] =	vst v4  }
0x158: {  	s8 =	simm.s32 $0x55C0;
	[tilespmem:s4+$0xFFFFFFE0] =	vst v5  }
0x159: {  	[tilespmem:s31], [sflag:$0x2] =	stream.indirect.gather [hbm4b:s3+s24], $0x8, s8, s24, $0xb8;
	[tilespmem:$0xC490] =	vst v63  }
0x15a: {  	_ =	swait.ge [sflag:s1], $0xC40  }
0x15b: {  	[sflag:s1] =	ssyncset.done $0x0  }
0x15c: {  	[sflag:s1] =	ssyncadd.s32 $0xFFFFF3C0  }
0x15d: {  	_ =	swait.ge [sflag:s1], $0xC40  }
0x15e: {  	[sflag:s1] =	ssyncset.done $0x0  }
0x15f: {  	[sflag:s1] =	ssyncadd.s32 $0xFFFFF3C0  }
0x160: {  	_ =	swait.ge [sflag:s1], $0xC40  }
0x161: {  	[sflag:s1] =	ssyncset.done $0x0  }
0x162: {  	[sflag:s1] =	ssyncadd.s32 $0xFFFFF3C0  }
0x163: {  	_ =	swait.ge [sflag:s1], $0xC40  }
0x164: {  	[sflag:s1] =	ssyncset.done $0x0  }
0x165: {  	[sflag:s1] =	ssyncadd.s32 $0xFFFFF3C0  }
0x166: {  	_ =	swait.ge [sflag:s1], $0xC40  }
0x167: {  	[sflag:s1] =	ssyncset.done $0x0  }
0x168: {  	[sflag:s1] =	ssyncadd.s32 $0xFFFFF3C0  }
0x169: {  	_ =	swait.ge [sflag:s1], $0xC40  }
0x16a: {  	[sflag:s1] =	ssyncset.done $0x0  }
0x16b: {  	[sflag:s1] =	ssyncadd.s32 $0xFFFFF3C0  }
0x16c: {  	_ =	swait.ge [sflag:s1], $0xC40  }
0x16d: {  	s30 =	simm.s32 $0x49B0;
	s28 =	simm.s32 $0x3130;
	[sflag:s1] =	ssyncset.done $0x0  }
0x16e: {  	s5 =	simm.s32 $0xC70;
	s4 =	simm.s32 $0xFFFFFFF9;
	[sflag:s1] =	ssyncadd.s32 $0xFFFFF3C0  }
.LBB2_5:
0x16f: {  	v4 =	vld [tilespmem:s30+$0xFFFFFFD0];
	_ =	sdelay $0x7  }
0x170: {  	[tilespmem:v4+s0+$0x0] =	vst.idx.add.f32.msk $0xffff, v2  }
0x171: {  	v5 =	vld [tilespmem:s5+$0xFFFFF390]  }
0x172: {  	v6 =	vld [tilespmem:s28+$0xFFFFF390]  }
0x173: {  	v7 =	vld [tilespmem:s5+$0xFFFFFFD0]  }
0x174: {  	v8 =	vld [tilespmem:s28+$0xFFFFFFD0]  }
0x175: {  	v9 =	vld [tilespmem:s5+$0xC10]  }
0x176: {  	v10 =	vld [tilespmem:s28+$0xC10];
	_ =	sdelay $0x2  }
0x177: {  	v5 =	vsub.f32 v5, v6;
	v13 =	vsub.f32 v7, v8;
	_ =	sdelay $0x1  }
0x178: {  	v14 =	vsub.f32 v9, v10;
	v5 =	vand.u32 $0x7FFFFFFF, v5;
	v6 =	vand.u32 $0x7FFFFFFF, v13  }
0x179: {  	v5 =	vadd.f32 v6, v5  }
0x17a: {  	v15 =	vand.u32 $0x7FFFFFFF, v14  }
0x17b: {  	v5 =	vadd.f32 v15, v5;
	_ =	sdelay $0x1  }
0x17c: {  	[tilespmem:v4+s23+$0x0] =	vst.idx.add.f32.msk $0xffff, v5  }
0x17d: {  	v4 =	vld [tilespmem:s30+$0xFFFFFFE0];
	_ =	sdelay $0x7  }
0x17e: {  	[tilespmem:v4+s0+$0x0] =	vst.idx.add.f32.msk $0xffff, v2  }
0x17f: {  	v5 =	vld [tilespmem:s5+$0xFFFFF3A0]  }
0x180: {  	v16 =	vld [tilespmem:s28+$0xFFFFF3A0]  }
0x181: {  	v17 =	vld [tilespmem:s5+$0xFFFFFFE0]  }
0x182: {  	v18 =	vld [tilespmem:s28+$0xFFFFFFE0]  }
0x183: {  	v19 =	vld [tilespmem:s5+$0xC20]  }
0x184: {  	v20 =	vld [tilespmem:s28+$0xC20];
	_ =	sdelay $0x2  }
0x185: {  	v5 =	vsub.f32 v5, v16;
	v21 =	vsub.f32 v17, v18;
	_ =	sdelay $0x1  }
0x186: {  	v22 =	vsub.f32 v19, v20;
	v5 =	vand.u32 $0x7FFFFFFF, v5;
	v6 =	vand.u32 $0x7FFFFFFF, v21  }
0x187: {  	v5 =	vadd.f32 v6, v5  }
0x188: {  	v23 =	vand.u32 $0x7FFFFFFF, v22  }
0x189: {  	v5 =	vadd.f32 v23, v5;
	_ =	sdelay $0x1  }
0x18a: {  	[tilespmem:v4+s23+$0x0] =	vst.idx.add.f32.msk $0xffff, v5  }
0x18b: {  	v4 =	vld [tilespmem:s30+$0xFFFFFFF0];
	_ =	sdelay $0x7  }
0x18c: {  	[tilespmem:v4+s0+$0x0] =	vst.idx.add.f32.msk $0xffff, v2  }
0x18d: {  	v5 =	vld [tilespmem:s5+$0xFFFFF3B0]  }
0x18e: {  	v24 =	vld [tilespmem:s28+$0xFFFFF3B0]  }
0x18f: {  	v25 =	vld [tilespmem:s5+$0xFFFFFFF0]  }
0x190: {  	v26 =	vld [tilespmem:s28+$0xFFFFFFF0]  }
0x191: {  	v27 =	vld [tilespmem:s5+$0xC30]  }
0x192: {  	v28 =	vld [tilespmem:s28+$0xC30];
	_ =	sdelay $0x2  }
0x193: {  	v5 =	vsub.f32 v5, v24;
	v29 =	vsub.f32 v25, v26;
	_ =	sdelay $0x1  }
0x194: {  	v30 =	vsub.f32 v27, v28;
	v5 =	vand.u32 $0x7FFFFFFF, v5;
	v6 =	vand.u32 $0x7FFFFFFF, v29  }
0x195: {  	v5 =	vadd.f32 v6, v5  }
0x196: {  	v31 =	vand.u32 $0x7FFFFFFF, v30  }
0x197: {  	v5 =	vadd.f32 v31, v5;
	_ =	sdelay $0x1  }
0x198: {  	[tilespmem:v4+s23+$0x0] =	vst.idx.add.f32.msk $0xffff, v5  }
0x199: {  	v4 =	vld [tilespmem:s30+$0x0];
	_ =	sdelay $0x7  }
0x19a: {  	[tilespmem:v4+s0+$0x0] =	vst.idx.add.f32.msk $0xffff, v2  }
0x19b: {  	v5 =	vld [tilespmem:s5+$0xFFFFF3C0]  }
0x19c: {  	v32 =	vld [tilespmem:s28+$0xFFFFF3C0]  }
0x19d: {  	v33 =	vld [tilespmem:s5+$0x0]  }
0x19e: {  	v34 =	vld [tilespmem:s28+$0x0]  }
0x19f: {  	v35 =	vld [tilespmem:s5+$0xC40]  }
0x1a0: {  	v36 =	vld [tilespmem:s28+$0xC40];
	_ =	sdelay $0x2  }
0x1a1: {  	v5 =	vsub.f32 v5, v32;
	v37 =	vsub.f32 v33, v34;
	_ =	sdelay $0x1  }
0x1a2: {  	v38 =	vsub.f32 v35, v36;
	v5 =	vand.u32 $0x7FFFFFFF, v5;
	v6 =	vand.u32 $0x7FFFFFFF, v37  }
0x1a3: {  	v5 =	vadd.f32 v6, v5  }
0x1a4: {  	v39 =	vand.u32 $0x7FFFFFFF, v38  }
0x1a5: {  	v5 =	vadd.f32 v39, v5;
	_ =	sdelay $0x1  }
0x1a6: {  	[tilespmem:v4+s23+$0x0] =	vst.idx.add.f32.msk $0xffff, v5  }
0x1a7: {  	v4 =	vld [tilespmem:s30+$0x10];
	_ =	sdelay $0x7  }
0x1a8: {  	[tilespmem:v4+s0+$0x0] =	vst.idx.add.f32.msk $0xffff, v2  }
0x1a9: {  	v5 =	vld [tilespmem:s5+$0xFFFFF3D0]  }
0x1aa: {  	v40 =	vld [tilespmem:s28+$0xFFFFF3D0]  }
0x1ab: {  	v41 =	vld [tilespmem:s5+$0x10]  }
0x1ac: {  	v42 =	vld [tilespmem:s28+$0x10]  }
0x1ad: {  	v43 =	vld [tilespmem:s5+$0xC50]  }
0x1ae: {  	v44 =	vld [tilespmem:s28+$0xC50];
	_ =	sdelay $0x2  }
0x1af: {  	v5 =	vsub.f32 v5, v40;
	v45 =	vsub.f32 v41, v42;
	_ =	sdelay $0x1  }
0x1b0: {  	v46 =	vsub.f32 v43, v44;
	v5 =	vand.u32 $0x7FFFFFFF, v5;
	v6 =	vand.u32 $0x7FFFFFFF, v45  }
0x1b1: {  	v5 =	vadd.f32 v6, v5  }
0x1b2: {  	v47 =	vand.u32 $0x7FFFFFFF, v46  }
0x1b3: {  	v5 =	vadd.f32 v47, v5;
	_ =	sdelay $0x1  }
0x1b4: {  	[tilespmem:v4+s23+$0x0] =	vst.idx.add.f32.msk $0xffff, v5  }
0x1b5: {  	v4 =	vld [tilespmem:s30+$0x20];
	_ =	sdelay $0x7  }
0x1b6: {  	[tilespmem:v4+s0+$0x0] =	vst.idx.add.f32.msk $0xffff, v2  }
0x1b7: {  	v5 =	vld [tilespmem:s5+$0xFFFFF3E0]  }
0x1b8: {  	v48 =	vld [tilespmem:s28+$0xFFFFF3E0]  }
0x1b9: {  	v49 =	vld [tilespmem:s5+$0x20]  }
0x1ba: {  	v50 =	vld [tilespmem:s28+$0x20]  }
0x1bb: {  	v51 =	vld [tilespmem:s5+$0xC60]  }
0x1bc: {  	v52 =	vld [tilespmem:s28+$0xC60];
	_ =	sdelay $0x2  }
0x1bd: {  	v5 =	vsub.f32 v5, v48;
	v53 =	vsub.f32 v49, v50;
	_ =	sdelay $0x1  }
0x1be: {  	v54 =	vsub.f32 v51, v52;
	v5 =	vand.u32 $0x7FFFFFFF, v5;
	v6 =	vand.u32 $0x7FFFFFFF, v53  }
0x1bf: {  	v5 =	vadd.f32 v6, v5  }
0x1c0: {  	v55 =	vand.u32 $0x7FFFFFFF, v54  }
0x1c1: {  	v5 =	vadd.f32 v55, v5;
	_ =	sdelay $0x1  }
0x1c2: {  	[tilespmem:v4+s23+$0x0] =	vst.idx.add.f32.msk $0xffff, v5  }
0x1c3: {  	v4 =	vld [tilespmem:s30+$0x30];
	_ =	sdelay $0x7  }
0x1c4: {  	[tilespmem:v4+s0+$0x0] =	vst.idx.add.f32.msk $0xffff, v2  }
0x1c5: {  	v5 =	vld [tilespmem:s5+$0xFFFFF3F0]  }
0x1c6: {  	v56 =	vld [tilespmem:s28+$0xFFFFF3F0]  }
0x1c7: {  	v57 =	vld [tilespmem:s5+$0x30]  }
0x1c8: {  	v58 =	vld [tilespmem:s28+$0x30]  }
0x1c9: {  	v59 =	vld [tilespmem:s5+$0xC70]  }
0x1ca: {  	v60 =	vld [tilespmem:s28+$0xC70];
	_ =	sdelay $0x2  }
0x1cb: {  	v5 =	vsub.f32 v5, v56;
	v61 =	vsub.f32 v57, v58  }
0x1cc: {  	s4 =	sadd.s32 $0x7, s4  }
0x1cd: {  	p1 =	slt.u32 s4, $0xBD;
	v62 =	vsub.f32 v59, v60;
	v5 =	vand.u32 $0x7FFFFFFF, v5;
	v6 =	vand.u32 $0x7FFFFFFF, v61  }
.Ltmp8:
0x1ce: {  	v5 =	vadd.f32 v6, v5;
	(pc) =	sbr.rel @p1 .LBB2_5-.Ltmp8, $3  }
0x1cf: {  	v63 =	vand.u32 $0x7FFFFFFF, v62  }
0x1d0: {  	v5 =	vadd.f32 v63, v5;
	_ =	sdelay $0x1  }
0x1d1: {  	s30 =	sadd.s32 $0x70, s30;
	s28 =	sadd.s32 $0x70, s28;
	s5 =	sadd.s32 $0x70, s5;
	[tilespmem:v4+s23+$0x0] =	vst.idx.add.f32.msk $0xffff, v5  }
0x1d2: {  	s4 =	simm.s32 $0x60;
	s28 =	simm.s32 $0x50  }
0x1d3: {  	s5 =	simm.s32 $0x40;
	s6 =	simm.s32 $0x30;
	v4 =	vmov s4;
	v5 =	vmov s28  }
0x1d4: {  	s7 =	simm.s32 $0x0;
	v6 =	vmov s5;
	v7 =	vmov s6;
	v4 =	vshll.u32 v4, $0x3  }
0x1d5: {  	v8 =	vmov s7;
	v5 =	vshll.u32 v5, $0x3;
	v4 =	vor.u32 v3, v4  }
0x1d6: {  	v6 =	vshll.u32 v6, $0x3;
	v5 =	vor.u32 v3, v5;
	v9 =	vor.u32 $0x3, v4  }
0x1d7: {  	v7 =	vshll.u32 v7, $0x3;
	v6 =	vor.u32 v3, v6;
	v10 =	vor.u32 $0x3, v5  }
0x1d8: {  	_ =	swait.ge [sflag:s25], $0x6200;
	s8 =	simm.s32 $0x10;
	v8 =	vshll.u32 v8, $0x3;
	v7 =	vor.u32 v3, v7;
	v11 =	vor.u32 $0x3, v6  }
0x1d9: {  	[sflag:s25] =	ssyncset.done $0x0;
	v12 =	vmov s8;
	v8 =	vor.u32 v3, v8;
	v13 =	vor.u32 $0x3, v7  }
0x1da: {  	s28 =	simm.s32 $0x20;
	[sflag:s25] =	ssyncadd.s32 $0xFFFF9E00;
	v12 =	vshll.u32 v12, $0x3;
	v14 =	vor.u32 $0x3, v8  }
0x1db: {  	v15 =	vmov s28;
	v12 =	vor.u32 v3, v12;
	v8 =	vor.u32 $0x4, v8;
	v9 =	vld.idx.msk [tilespmem:v9+s31+$0x0], $0xffff  }
0x1dc: {  	v15 =	vshll.u32 v15, $0x3;
	v16 =	vor.u32 $0x3, v12;
	v10 =	vld.idx.msk [tilespmem:v10+s31+$0x0], $0xffff  }
0x1dd: {  	v15 =	vor.u32 v3, v15;
	v12 =	vor.u32 $0x4, v12;
	v11 =	vld.idx.msk [tilespmem:v11+s31+$0x0], $0xffff  }
0x1de: {  	v17 =	vor.u32 $0x3, v15;
	v13 =	vld.idx.msk [tilespmem:v13+s31+$0x0], $0xffff  }
0x1df: {  	v15 =	vor.u32 $0x4, v15;
	v14 =	vld.idx.msk [tilespmem:v14+s31+$0x0], $0xffff  }
0x1e0: {  	v7 =	vor.u32 $0x4, v7;
	v8 =	vld.idx.msk [tilespmem:v8+s31+$0x0], $0xffff  }
0x1e1: {  	v16 =	vld.idx.msk [tilespmem:v16+s31+$0x0], $0xffff  }
0x1e2: {  	v6 =	vor.u32 $0x4, v6;
	v12 =	vld.idx.msk [tilespmem:v12+s31+$0x0], $0xffff  }
0x1e3: {  	v5 =	vor.u32 $0x4, v5;
	v17 =	vld.idx.msk [tilespmem:v17+s31+$0x0], $0xffff  }
0x1e4: {  	v15 =	vld.idx.msk [tilespmem:v15+s31+$0x0], $0xffff;
	v18 =	vmul.f32 v9, v9  }
0x1e5: {  	v19 =	vld.idx.msk [tilespmem:v7+s31+$0x0], $0xffff;
	v9 =	vor.u32 $0x4, v4;
	v7 =	vmul.f32 v14, v14;
	v8 =	vmul.f32 v8, v8  }
0x1e6: {  	v14 =	vmul.f32 v16, v16  }
0x1e7: {  	v6 =	vld.idx.msk [tilespmem:v6+s31+$0x0], $0xffff;
	v12 =	vmul.f32 v12, v12;
	v20 =	vmul.f32 v10, v10;
	v8 =	vadd.f32 v8, v7  }
0x1e8: {  	v5 =	vld.idx.msk [tilespmem:v5+s31+$0x0], $0xffff;
	v10 =	vmul.f32 v11, v11;
	v11 =	vmul.f32 v17, v17  }
0x1e9: {  	v7 =	vadd.f32 v12, v14;
	v12 =	vmul.f32 v15, v15;
	v14 =	vshrl.u32 v8, $0x1  }
0x1ea: {  	v13 =	vmul.f32 v13, v13;
	v17 =	vld.idx.msk [tilespmem:v9+s31+$0x0], $0xffff;
	v9 =	vmul.f32 v19, v19;
	v14 =	vadd.s32 $0x1FBD1DF5, v14  }
0x1eb: {  	v15 =	vshrl.u32 v7, $0x1;
	v11 =	vadd.f32 v12, v11;
	(erf) = vrcp.f32 v14  }
0x1ec: {  	v6 =	vmul.f32 v6, v6;
	v15 =	vadd.s32 $0x1FBD1DF5, v15;
	v9 =	vadd.f32 v9, v13  }
0x1ed: {  	v5 =	vmul.f32 v5, v5;
	v12 =	vshrl.u32 v11, $0x1;
	(erf) = vrcp.f32 v15  }
0x1ee: {  	v10 =	vadd.f32 v6, v10;
	v16 =	vadd.s32 $0x1FBD1DF5, v12;
	v13 =	vshrl.u32 v9, $0x1  }
0x1ef: {  	(erf) = vrcp.f32 v16;
	v13 =	vadd.s32 $0x1FBD1DF5, v13;
	v17 =	vmul.f32 v17, v17  }
0x1f0: {  	v6 =	vadd.f32 v5, v20;
	v12 =	vshrl.u32 v10, $0x1;
	(erf) = vrcp.f32 v13  }
0x1f1: {  	s30 =	simm.s32 $0x0;
	s4 =	simm.s32 $0xD0;
	v4 =	vimm.f32 $0.0e+00;
	v12 =	vadd.s32 $0x1FBD1DF5, v12;
	v5 =	vadd.f32 v17, v18  }
.LBB2_7:
0x1f2: {  	v17 =	vmov s4;
	v18 =	vshrl.u32 v6, $0x1;
	(erf) = vrcp.f32 v12  }
0x1f3: {  	s5 =	sadd.s32 $0xFFFFFFF0, s4;
	v17 =	vshll.u32 v17, $0x3;
	v18 =	vadd.s32 $0x1FBD1DF5, v18;
	v19 =	vshrl.u32 v5, $0x1  }
0x1f4: {  	s6 =	sadd.s32 $0xFFFFFFE0, s4;
	v20 =	vmov s5;
	v19 =	vadd.s32 $0x1FBD1DF5, v19;
	v21 =	vpop (erf);
	(erf) = vrcp.f32 v18  }
0x1f5: {  	s7 =	sadd.s32 $0xFFFFFFC0, s4;
	s8 =	sadd.s32 $0xFFFFFFD0, s4;
	s5 =	sadd.s32 $0xFFFFFFB0, s4;
	v22 =	vmov s6;
	v21 =	vmul.f32 v21, v8;
	(erf) = vrcp.f32 v19  }
0x1f6: {  	s6 =	sadd.s32 $0xFFFFFFA0, s4;
	v24 =	vmov s7;
	v25 =	vmov s8;
	v23 =	vmov s5;
	v26 =	vpop (erf)  }
0x1f7: {  	v27 =	vmov s6;
	v14 =	vadd.f32 v14, v21;
	v21 =	vmul.f32 v26, v7  }
0x1f8: {  	v22 =	vshll.u32 v22, $0x3;
	v20 =	vshll.u32 v20, $0x3;
	v17 =	vor.u32 v3, v17;
	v26 =	vpop (erf)  }
0x1f9: {  	v14 =	vmul.f32 $5.000000000e-01, v14;
	v15 =	vadd.f32 v15, v21;
	v28 =	vmul.f32 v26, v11;
	v26 =	vpop (erf)  }
0x1fa: {  	v24 =	vshll.u32 v24, $0x3;
	v25 =	vshll.u32 v25, $0x3;
	v26 =	vmul.f32 v26, v9  }
0x1fb: {  	v15 =	vmul.f32 $5.000000000e-01, v15;
	v16 =	vadd.f32 v16, v28;
	(erf) = vrcp.f32 v14;
	v21 =	vpop (erf)  }
0x1fc: {  	v23 =	vshll.u32 v23, $0x3;
	v13 =	vadd.f32 v13, v26;
	v21 =	vmul.f32 v21, v10  }
0x1fd: {  	v26 =	vor.u32 $0x3, v17;
	v16 =	vmul.f32 $5.000000000e-01, v16;
	(erf) = vrcp.f32 v15;
	v28 =	vpop (erf)  }
0x1fe: {  	v13 =	vmul.f32 $5.000000000e-01, v13;
	v12 =	vadd.f32 v12, v21;
	v21 =	vmul.f32 v28, v6;
	v28 =	vpop (erf)  }
0x1ff: {  	v20 =	vor.u32 v3, v20;
	v28 =	vmul.f32 v28, v5;
	(erf) = vrcp.f32 v16  }
0x200: {  	v12 =	vmul.f32 $5.000000000e-01, v12;
	v18 =	vadd.f32 v18, v21;
	(erf) = vrcp.f32 v13  }
0x201: {  	v22 =	vor.u32 v3, v22;
	v21 =	vshll.u32 v27, $0x3;
	v27 =	vor.u32 $0x3, v20  }
0x202: {  	v19 =	vadd.f32 v19, v28;
	v18 =	vmul.f32 $5.000000000e-01, v18;
	(erf) = vrcp.f32 v12  }
0x203: {  	s30 =	sadd.s32 $0x7, s30;
	v24 =	vor.u32 v3, v24;
	v25 =	vor.u32 v3, v25;
	v28 =	vor.u32 $0x3, v22  }
0x204: {  	p1 =	slt.u32 s30, $0xBD;
	v23 =	vor.u32 v3, v23;
	v19 =	vmul.f32 $5.000000000e-01, v19;
	v26 =	vld.idx.msk [tilespmem:v26+s31+$0x0], $0xffff;
	v29 =	vpop (erf);
	(erf) = vrcp.f32 v18  }
0x205: {  	v30 =	vor.u32 $0x3, v25;
	v21 =	vor.u32 v3, v21;
	v8 =	vmul.f32 v29, v8  }
0x206: {  	v20 =	vor.u32 $0x4, v20;
	v29 =	vor.u32 $0x3, v21;
	v27 =	vld.idx.msk [tilespmem:v27+s31+$0x0], $0xffff;
	v31 =	vpop (erf);
	(erf) = vrcp.f32 v19  }
0x207: {  	v21 =	vor.u32 $0x4, v21;
	v8 =	vadd.f32 v8, v14;
	v7 =	vmul.f32 v31, v7  }
0x208: {  	v14 =	vor.u32 $0x3, v23;
	v23 =	vor.u32 $0x4, v23;
	v31 =	vor.u32 $0x3, v24;
	v28 =	vld.idx.msk [tilespmem:v28+s31+$0x0], $0xffff;
	v32 =	vpop (erf)  }
0x209: {  	v8 =	vmul.f32 $5.000000000e-01, v8;
	v7 =	vadd.f32 v7, v15;
	v32 =	vmul.f32 v32, v11;
	v15 =	vpop (erf)  }
0x20a: {  	v24 =	vor.u32 $0x4, v24;
	v26 =	vmul.f32 v26, v26;
	v30 =	vld.idx.msk [tilespmem:v30+s31+$0x0], $0xffff;
	v33 =	vmul.f32 v15, v9  }
0x20b: {  	v15 =	vld.idx.msk [tilespmem:v29+s31+$0x0], $0xffff;
	v4 =	vadd.f32 v8, v4;
	v7 =	vmul.f32 $5.000000000e-01, v7;
	v8 =	vadd.f32 v32, v16;
	v11 =	vpop (erf)  }
0x20c: {  	v16 =	vld.idx.msk [tilespmem:v21+s31+$0x0], $0xffff;
	v21 =	vor.u32 $0x4, v25;
	v25 =	vmul.f32 v27, v27;
	v27 =	vmul.f32 v11, v10  }
0x20d: {  	v11 =	vld.idx.msk [tilespmem:v14+s31+$0x0], $0xffff;
	v4 =	vadd.f32 v7, v4;
	v7 =	vmul.f32 $5.000000000e-01, v8;
	v8 =	vadd.f32 v33, v13;
	v9 =	vpop (erf)  }
0x20e: {  	v14 =	vor.u32 $0x4, v22;
	v22 =	vmul.f32 v28, v28;
	v13 =	vld.idx.msk [tilespmem:v23+s31+$0x0], $0xffff;
	v6 =	vmul.f32 v9, v6  }
0x20f: {  	v9 =	vld.idx.msk [tilespmem:v31+s31+$0x0], $0xffff;
	v4 =	vadd.f32 v7, v4;
	v7 =	vmul.f32 $5.000000000e-01, v8;
	v8 =	vadd.f32 v27, v12;
	v10 =	vpop (erf)  }
0x210: {  	v17 =	vor.u32 $0x4, v17;
	v23 =	vmul.f32 v30, v30;
	v12 =	vld.idx.msk [tilespmem:v24+s31+$0x0], $0xffff;
	v5 =	vmul.f32 v10, v5  }
0x211: {  	v6 =	vadd.f32 v6, v18;
	v10 =	vld.idx.msk [tilespmem:v21+s31+$0x0], $0xffff;
	v4 =	vadd.f32 v7, v4;
	v7 =	vmul.f32 $5.000000000e-01, v8  }
0x212: {  	v8 =	vmul.f32 v15, v15;
	v15 =	vmul.f32 v16, v16  }
0x213: {  	v6 =	vmul.f32 $5.000000000e-01, v6;
	v5 =	vadd.f32 v5, v19;
	v16 =	vld.idx.msk [tilespmem:v14+s31+$0x0], $0xffff;
	v4 =	vadd.f32 v7, v4  }
0x214: {  	v8 =	vadd.f32 v15, v8;
	v7 =	vmul.f32 v11, v11;
	v11 =	vmul.f32 v13, v13;
	v13 =	vld.idx.msk [tilespmem:v20+s31+$0x0], $0xffff  }
0x215: {  	v9 =	vmul.f32 v9, v9;
	v5 =	vmul.f32 $5.000000000e-01, v5;
	v4 =	vadd.f32 v6, v4  }
0x216: {  	v6 =	vshrl.u32 v8, $0x1;
	v7 =	vadd.f32 v11, v7;
	v11 =	vmul.f32 v12, v12;
	v12 =	vld.idx.msk [tilespmem:v17+s31+$0x0], $0xffff  }
0x217: {  	v14 =	vadd.s32 $0x1FBD1DF5, v6;
	v6 =	vmul.f32 v10, v10;
	v4 =	vadd.f32 v5, v4  }
0x218: {  	v5 =	vshrl.u32 v7, $0x1;
	v11 =	vadd.f32 v11, v9;
	(erf) = vrcp.f32 v14  }
0x219: {  	v15 =	vadd.s32 $0x1FBD1DF5, v5;
	v9 =	vadd.f32 v6, v23;
	v5 =	vmul.f32 v16, v16  }
.Ltmp9:
0x21a: {  	v6 =	vshrl.u32 v11, $0x1;
	v17 =	vmul.f32 v13, v13;
	(erf) = vrcp.f32 v15;
	(pc) =	sbr.rel @p1 .LBB2_7-.Ltmp9, $4  }
0x21b: {  	v16 =	vadd.s32 $0x1FBD1DF5, v6;
	v6 =	vshrl.u32 v9, $0x1;
	v10 =	vadd.f32 v5, v22  }
0x21c: {  	v13 =	vadd.s32 $0x1FBD1DF5, v6;
	v5 =	vmul.f32 v12, v12;
	(erf) = vrcp.f32 v16  }
0x21d: {  	v6 =	vadd.f32 v17, v25;
	v12 =	vshrl.u32 v10, $0x1;
	(erf) = vrcp.f32 v13  }
0x21e: {  	s4 =	sadd.s32 $0x70, s4;
	v12 =	vadd.s32 $0x1FBD1DF5, v12;
	v5 =	vadd.f32 v5, v26  }
0x21f: {  	v17 =	vshrl.u32 v6, $0x1;
	(erf) = vrcp.f32 v12  }
0x220: {  	v17 =	vadd.s32 $0x1FBD1DF5, v17;
	v18 =	vshrl.u32 v5, $0x1  }
0x221: {  	v18 =	vadd.s32 $0x1FBD1DF5, v18;
	v19 =	vpop (erf);
	(erf) = vrcp.f32 v17  }
0x222: {  	v19 =	vmul.f32 v19, v8;
	(erf) = vrcp.f32 v18  }
0x223: {  	v20 =	vpop (erf)  }
0x224: {  	v14 =	vadd.f32 v14, v19;
	v41 =	vmul.f32 v20, v7  }
0x225: {  	v42 =	vpop (erf)  }
0x226: {  	v14 =	vmul.f32 $5.000000000e-01, v14;
	v15 =	vadd.f32 v15, v41;
	v43 =	vmul.f32 v42, v11;
	v44 =	vpop (erf)  }
0x227: {  	v20 =	vmul.f32 v44, v9  }
0x228: {  	v15 =	vmul.f32 $5.000000000e-01, v15;
	v16 =	vadd.f32 v16, v43;
	(erf) = vrcp.f32 v14;
	v45 =	vpop (erf)  }
0x229: {  	v13 =	vadd.f32 v13, v20;
	v19 =	vmul.f32 v45, v10  }
0x22a: {  	v16 =	vmul.f32 $5.000000000e-01, v16;
	(erf) = vrcp.f32 v15;
	v46 =	vpop (erf)  }
0x22b: {  	v13 =	vmul.f32 $5.000000000e-01, v13;
	v47 =	vadd.f32 v12, v19;
	v48 =	vmul.f32 v46, v6;
	v49 =	vpop (erf)  }
0x22c: {  	v20 =	vmul.f32 v49, v5;
	(erf) = vrcp.f32 v16  }
0x22d: {  	v12 =	vmul.f32 $5.000000000e-01, v47;
	v17 =	vadd.f32 v17, v48;
	(erf) = vrcp.f32 v13;
	_ =	sdelay $0x1  }
0x22e: {  	v18 =	vadd.f32 v18, v20;
	v17 =	vmul.f32 $5.000000000e-01, v17;
	(erf) = vrcp.f32 v12;
	_ =	sdelay $0x1  }
0x22f: {  	v18 =	vmul.f32 $5.000000000e-01, v18;
	v50 =	vpop (erf);
	(erf) = vrcp.f32 v17  }
0x230: {  	v51 =	vmul.f32 v50, v8  }
0x231: {  	v52 =	vpop (erf);
	(erf) = vrcp.f32 v18  }
0x232: {  	v8 =	vadd.f32 v51, v14;
	v7 =	vmul.f32 v52, v7  }
0x233: {  	v53 =	vpop (erf)  }
0x234: {  	v8 =	vmul.f32 $5.000000000e-01, v8;
	v7 =	vadd.f32 v7, v15;
	v54 =	vmul.f32 v53, v11;
	v55 =	vpop (erf)  }
0x235: {  	v56 =	vmul.f32 v55, v9  }
0x236: {  	v4 =	vadd.f32 v8, v4;
	v7 =	vmul.f32 $5.000000000e-01, v7;
	v57 =	vadd.f32 v54, v16;
	v58 =	vpop (erf)  }
0x237: {  	v59 =	vmul.f32 v58, v10  }
0x238: {  	v60 =	vadd.f32 v56, v13;
	v4 =	vadd.f32 v7, v4;
	v7 =	vmul.f32 $5.000000000e-01, v57;
	v61 =	vpop (erf)  }
0x239: {  	v6 =	vmul.f32 v61, v6  }
0x23a: {  	v62 =	vadd.f32 v59, v12;
	v4 =	vadd.f32 v7, v4;
	v7 =	vmul.f32 $5.000000000e-01, v60;
	v63 =	vpop (erf)  }
0x23b: {  	v5 =	vmul.f32 v63, v5  }
0x23c: {  	v6 =	vadd.f32 v6, v17;
	v4 =	vadd.f32 v7, v4;
	v7 =	vmul.f32 $5.000000000e-01, v62;
	_ =	sdelay $0x1  }
.Ltmp10:
0x23d: {  	v6 =	vmul.f32 $5.000000000e-01, v6;
	v5 =	vadd.f32 v5, v18;
	v4 =	vadd.f32 v7, v4;
	(pc) =	sbr.rel .LBB2_16-.Ltmp10, $3  }
0x23e: {  	_ = 	snop  }
0x23f: {  	v5 =	vmul.f32 $5.000000000e-01, v5;
	v4 =	vadd.f32 v6, v4;
	_ =	sdelay $0x1  }
0x240: {  	v4 =	vadd.f32 v5, v4  }
.LBB2_17:
0x241: {  	_ =	sfence.sel $0x180000  }
0x242: {  	[bflag:$0x0] =	sbarrier.arrive $0xFFFF  }
0x243: {  	_ =	strace $0x90000047  }
0x244: {  	s0 =	stileid.u32;
	[bflag:$0x2] =	sbarrier.arrive $0xFFFF  }
0x245: {  	p0 =	sne.s32 s0, $0x0;
	s0 =	rddreg [dreg:$0x7]  }
0x246: {  	s0 =	sadd.s32 @!p0 $0x100000, s0  }
0x247: {  	[sflag:s0] =	ssyncadd.tile.s32 @!p0 $0x1;
	_ =	shalt  }
.Lfunc_end2:
_tile_overlayer_lowered:
.L_overlay_start_2:
0x248: {  	(tag) =	ssettag $0x2  }
0x249: {  	s0 =	rddreg [dreg:$0x0];
	s2 =	stileid.u32  }
0x24a: {  	s1 =	rddreg [dreg:$0x1];
	p0 =	sne.s32 s2, $0x0  }
0x24b: {  	s3 =	rddreg [dreg:$0x2];
	[bflag:$0x3] =	sbarrier.arrive $0xFFFF;
	s2 =	simm.s32 @!p0 $0x1C03  }
0x24c: {  	[timem:s3], [sflag:s2] =	dma.local @!p0 [hbm:s0], s1  }
0x24d: {  	s0 =	simm.s32 @!p0 $0x3  }
0x24e: {  	_ =	swait.ge @!p0 [sflag:s0], s1  }
0x24f: {  	s1 =	ssub.s32 @!p0 $0x0, s1;
	[sflag:s0] =	ssyncset.done @!p0 $0x0  }
0x250: {  	[sflag:s0] =	ssyncadd.s32 @!p0 s1  }
0x251: {  	[bflag:$0x3] =	sbarrier.arrive $0xFFFF  }
0x252: {  	_ =	shalt  }

</sc_bundles>
